<compile_context>
chip_gen: v7x
topology: tpu7x:2x2x1
jax: 0.10.2.dev20260603
libtpu: 0.0.44.dev20260713+nightly
codegen_flags: <defaults>
</compile_context>

<pallas_src>
import jax
import jax.numpy as jnp
from jax import lax
from jax.experimental import pallas as pl
from jax.experimental.pallas import tpu as pltpu
from jax.experimental.pallas import tpu_sc as plsc

N_TOK = 32768
D_MODEL = 768
N_EXP = 64
NC = 2
NS = 16
NW = NC * NS
L = 16

H = 1
NTH = N_TOK // H
TPW = NTH // NW
TOK_BLK = 4096
CPB = TOK_BLK // TPW


def _gate_body(x_ref, w_ref, b_ref, o_ref):
    logits = lax.dot_general(
        w_ref[...], x_ref[...],
        (((1,), (1,)), ((), ())),
        preferred_element_type=jnp.float32,
    )
    logits = logits + b_ref[...]
    for c in range(CPB):
        o_ref[c] = logits[:, c * TPW:(c + 1) * TPW]


def _gate(x, W, b2):
    return pl.pallas_call(
        _gate_body,
        grid=(NTH // TOK_BLK,),
        in_specs=[
            pl.BlockSpec((TOK_BLK, D_MODEL), lambda i: (i, 0)),
            pl.BlockSpec((N_EXP, D_MODEL), lambda i: (0, 0)),
            pl.BlockSpec((N_EXP, 1), lambda i: (0, 0)),
        ],
        out_specs=pl.BlockSpec((CPB, N_EXP, TPW), lambda i: (i, 0, 0)),
        out_shape=jax.ShapeDtypeStruct((NW, N_EXP, TPW), jnp.float32),
    )(x, W, b2)


def _topk_body(logits_hbm, out1_hbm, out2_hbm, buf, buf1, buf2):
    cid = lax.axis_index("c")
    sid = lax.axis_index("s")
    wid = sid * NC + cid
    base = wid * TPW

    pltpu.sync_copy(logits_hbm.at[wid], buf)

    zeros16 = jnp.zeros((L,), jnp.int32)
    neg_inf = jnp.full((L,), -jnp.inf, jnp.float32)

    def group(g, carry):
        gb = g * L
        max1 = buf[0, pl.ds(gb, L)]
        idx1 = zeros16
        max2 = neg_inf
        idx2 = zeros16
        for e in range(1, N_EXP):
            v = buf[e, pl.ds(gb, L)]
            e_vec = jnp.full((L,), e, jnp.int32)
            gt1 = v > max1
            gt2 = v > max2
            max2 = jnp.where(gt1, max1, jnp.where(gt2, v, max2))
            idx2 = jnp.where(gt1, idx1, jnp.where(gt2, e_vec, idx2))
            max1 = jnp.where(gt1, v, max1)
            idx1 = jnp.where(gt1, e_vec, idx1)
        buf1[pl.ds(gb, L)] = idx1
        buf2[pl.ds(gb, L)] = idx2
        return carry

    lax.fori_loop(0, TPW // L, group, 0)
    pltpu.sync_copy(buf1, out1_hbm.at[pl.ds(base, TPW)])
    pltpu.sync_copy(buf2, out2_hbm.at[pl.ds(base, TPW)])


def _topk(logits_t):
    mesh = plsc.VectorSubcoreMesh(
        core_axis_name="c", subcore_axis_name="s",
        num_cores=NC, num_subcores=NS,
    )
    return pl.kernel(
        _topk_body,
        out_type=[
            jax.ShapeDtypeStruct((NTH,), jnp.int32),
            jax.ShapeDtypeStruct((NTH,), jnp.int32),
        ],
        mesh=mesh,
        scratch_types=[
            pltpu.VMEM((N_EXP, TPW), jnp.float32),
            pltpu.VMEM((TPW,), jnp.int32),
            pltpu.VMEM((TPW,), jnp.int32),
        ],
    )(logits_t)


@jax.jit
def _run(x, W, b):
    b2 = b.reshape(N_EXP, 1)
    parts = []
    for h in range(H):
        lt = _gate(lax.slice_in_dim(x, h * NTH, (h + 1) * NTH, axis=0), W, b2)
        parts.append(_topk(lt))
    r1 = jnp.concatenate([p[0] for p in parts])
    r2 = jnp.concatenate([p[1] for p in parts])
    return jnp.stack([r1, r2], axis=1)


def kernel(x, W, b, top_k):
    return _run(x, W, b)

# --- scband reference (transcript-rebuilt; emitter-appended) ---
"""Pipeline reference for scband-router-45681272160503 (READ-ONLY COPY).

The authoritative reference and input builder live on the scoring server;
editing this copy changes nothing except your own understanding.
"""

import jax, jax.numpy as jnp
import numpy as np

D_MODEL = 768
NUM_EXPERTS = 64
N_TOKENS = 32768
TOP_K = 2


def setup_inputs(seed: int = 0) -> dict:
    key = jax.random.key(seed)
    k1, k2 = jax.random.split(key, 2)
    x = jax.random.normal(k1, (N_TOKENS, D_MODEL), dtype=jnp.float32)
    # nn.Linear(d_model, num_experts): weight [num_experts, d_model], bias [num_experts]
    bound = 1.0 / np.sqrt(D_MODEL)
    W = jax.random.uniform(k2, (NUM_EXPERTS, D_MODEL), dtype=jnp.float32, minval=-bound, maxval=bound)
    b = jnp.zeros((NUM_EXPERTS,), dtype=jnp.float32)
    return {"x": x, "W": W, "b": b, "top_k": TOP_K}


def reference(x, W, b, top_k):
    assert TOP_K <= NUM_EXPERTS
    logits = x @ W.T + b  # [N, num_experts]
    _, routes = jax.lax.top_k(logits, TOP_K)  # indices along last dim
    zero = (jnp.asarray(top_k) - jnp.asarray(top_k)).astype(routes.dtype)
    return routes + zero

if __name__ == "__main__":
    import jax
    _d = setup_inputs()
    print(jax.jit(kernel)(*tuple(_d.values())))

</pallas_src>

<mosaic_0001>
#map = affine_map<(d0, d1) -> (0, 0, 0)>
#map1 = affine_map<(d0, d1) -> (0)>
module attributes {stable_mosaic.version = 14 : i64} {
  func.func @_topk_body(%arg0: i32, %arg1: i32, %arg2: memref<32x64x1024xf32, #tpu.memory_space<hbm>>, %arg3: memref<32768xi32, #tpu.memory_space<hbm>>, %arg4: memref<32768xi32, #tpu.memory_space<hbm>>, %arg5: memref<64x1024xf32, #tpu.memory_space<vmem>>, %arg6: memref<1024xi32, #tpu.memory_space<vmem>>, %arg7: memref<1024xi32, #tpu.memory_space<vmem>>) attributes {dimension_semantics = [#tpu.dimension_semantics<core_parallel>, #tpu.dimension_semantics<subcore_parallel>], iteration_bounds = array<i64: 2, 16>, scalar_prefetch = 0 : i64, scratch_operands = 3 : i64, tpu.core_type = #tpu.core_type<sc_vector_subcore>, window_params = [{transform_indices = #map}, {transform_indices = #map1}, {transform_indices = #map1}]} {
    %mul3A = arith.constant 2 : i32
    %mul3A_0 = arith.muli %arg1, %mul3A : i32
    %add3A = arith.addi %mul3A_0, %arg0 : i32
    %mul3A_1 = arith.constant 1024 : i32
    %mul3A_2 = arith.muli %add3A, %mul3A_1 : i32
    "tpu.region"() ({
      %run_scoped3A = tpu.sem_alloc : memref<!tpu.dma_semaphore, #tpu.memory_space<semaphore_mem>>
      %dma_start3A = arith.constant 0 : i32
      %dma_start3A_11 = arith.constant 0 : i32
      %dma_start3A_12 = tpu.memref_slice %arg2[%add3A, %dma_start3A, %dma_start3A_11] : memref<32x64x1024xf32, #tpu.memory_space<hbm>> -> memref<1x64x1024xf32, #tpu.memory_space<hbm>>
      %dma_start3A_13 = tpu.memref_squeeze %dma_start3A_12 : memref<1x64x1024xf32, #tpu.memory_space<hbm>> -> memref<64x1024xf32, #tpu.memory_space<hbm>>
      %dma_start3A_14 = arith.constant 0 : i32
      %dma_start3A_15 = arith.constant 0 : i32
      %dma_start3A_16 = tpu.memref_slice %arg2[%add3A, %dma_start3A_14, %dma_start3A_15] : memref<32x64x1024xf32, #tpu.memory_space<hbm>> -> memref<1x64x1024xf32, #tpu.memory_space<hbm>>
      %dma_start3A_17 = tpu.memref_squeeze %dma_start3A_16 : memref<1x64x1024xf32, #tpu.memory_space<hbm>> -> memref<64x1024xf32, #tpu.memory_space<hbm>>
      tpu.enqueue_dma source(%dma_start3A_17 : memref<64x1024xf32, #tpu.memory_space<hbm>>) target(%arg5 : memref<64x1024xf32, #tpu.memory_space<vmem>>) target_semaphore(%run_scoped3A : memref<!tpu.dma_semaphore, #tpu.memory_space<semaphore_mem>>)
      %dma_wait3A = arith.constant 0 : i32
      %dma_wait3A_18 = arith.constant 0 : i32
      %dma_wait3A_19 = tpu.memref_slice %arg2[%add3A, %dma_wait3A, %dma_wait3A_18] : memref<32x64x1024xf32, #tpu.memory_space<hbm>> -> memref<1x64x1024xf32, #tpu.memory_space<hbm>>
      %dma_wait3A_20 = tpu.memref_squeeze %dma_wait3A_19 : memref<1x64x1024xf32, #tpu.memory_space<hbm>> -> memref<64x1024xf32, #tpu.memory_space<hbm>>
      %dma_wait3A_21 = arith.constant 0 : i32
      %dma_wait3A_22 = arith.constant 0 : i32
      %dma_wait3A_23 = tpu.memref_slice %arg2[%add3A, %dma_wait3A_21, %dma_wait3A_22] : memref<32x64x1024xf32, #tpu.memory_space<hbm>> -> memref<1x64x1024xf32, #tpu.memory_space<hbm>>
      %dma_wait3A_24 = tpu.memref_squeeze %dma_wait3A_23 : memref<1x64x1024xf32, #tpu.memory_space<hbm>> -> memref<64x1024xf32, #tpu.memory_space<hbm>>
      tpu.wait_dma2 semaphore(%run_scoped3A : memref<!tpu.dma_semaphore, #tpu.memory_space<semaphore_mem>>) src(%dma_wait3A_24 : memref<64x1024xf32, #tpu.memory_space<hbm>>) dst(%arg5 : memref<64x1024xf32, #tpu.memory_space<vmem>>)
      tpu.yield
    }) : () -> ()
    %broadcast_in_dim3A = arith.constant 0 : i32
    %broadcast_in_dim3A_3 = vector.broadcast %broadcast_in_dim3A : i32 to vector<16xi32>
    %broadcast_in_dim3A_4 = arith.constant 0xFF800000 : f32
    %broadcast_in_dim3A_5 = vector.broadcast %broadcast_in_dim3A_4 : f32 to vector<16xf32>
    %scan3A = arith.constant 0 : i32
    %scan3A_6 = arith.constant 0 : i32
    %scan3A_7 = arith.constant 64 : i32
    %scan3A_8 = arith.addi %scan3A_6, %scan3A_7 : i32
    %scan3A_9 = arith.constant 1 : i32
    scf.for %scan3A_11 = %scan3A_6 to %scan3A_8 step %scan3A_9  : i32 {
      %mul3A_12 = arith.constant 16 : i32
      %mul3A_13 = arith.muli %scan3A_11, %mul3A_12 : i32
      %get3A = arith.constant 0 : i32
      %get3A_14 = arith.index_cast %get3A : i32 to index
      %get3A_15 = arith.index_cast %mul3A_13 : i32 to index
      %get3A_16 = tpu.vector_load %arg5[%get3A_14, %get3A_15] {strides = array<i32>} : memref<64x1024xf32, #tpu.memory_space<vmem>>, vector<1x16xf32>,
      %get3A_17 = vector.shape_cast %get3A_16 : vector<1x16xf32> to vector<16xf32>
      %get3A_18 = arith.constant 1 : i32
      %get3A_19 = arith.index_cast %get3A_18 : i32 to index
      %get3A_20 = arith.index_cast %mul3A_13 : i32 to index
      %get3A_21 = tpu.vector_load %arg5[%get3A_19, %get3A_20] {strides = array<i32>} : memref<64x1024xf32, #tpu.memory_space<vmem>>, vector<1x16xf32>,
      %get3A_22 = vector.shape_cast %get3A_21 : vector<1x16xf32> to vector<16xf32>
      %broadcast_in_dim3A_23 = arith.constant 1 : i32
      %broadcast_in_dim3A_24 = vector.broadcast %broadcast_in_dim3A_23 : i32 to vector<16xi32>
      %gt3A = arith.cmpf ogt, %get3A_22, %get3A_17 : vector<16xf32>
      %gt3A_25 = arith.cmpf ogt, %get3A_22, %broadcast_in_dim3A_5 : vector<16xf32>
      %select_n3A = arith.select %gt3A_25, %get3A_22, %broadcast_in_dim3A_5 : vector<16xi1>, vector<16xf32>
      %select_n3A_26 = arith.select %gt3A, %get3A_17, %select_n3A : vector<16xi1>, vector<16xf32>
      %select_n3A_27 = arith.select %gt3A_25, %broadcast_in_dim3A_24, %broadcast_in_dim3A_3 : vector<16xi1>, vector<16xi32>
      %select_n3A_28 = arith.select %gt3A, %broadcast_in_dim3A_3, %select_n3A_27 : vector<16xi1>, vector<16xi32>
      %select_n3A_29 = arith.select %gt3A, %get3A_22, %get3A_17 : vector<16xi1>, vector<16xf32>
      %select_n3A_30 = arith.select %gt3A, %broadcast_in_dim3A_24, %broadcast_in_dim3A_3 : vector<16xi1>, vector<16xi32>
      %get3A_31 = arith.constant 2 : i32
      %get3A_32 = arith.index_cast %get3A_31 : i32 to index
      %get3A_33 = arith.index_cast %mul3A_13 : i32 to index
      %get3A_34 = tpu.vector_load %arg5[%get3A_32, %get3A_33] {strides = array<i32>} : memref<64x1024xf32, #tpu.memory_space<vmem>>, vector<1x16xf32>,
      %get3A_35 = vector.shape_cast %get3A_34 : vector<1x16xf32> to vector<16xf32>
      %broadcast_in_dim3A_36 = arith.constant 2 : i32
      %broadcast_in_dim3A_37 = vector.broadcast %broadcast_in_dim3A_36 : i32 to vector<16xi32>
      %gt3A_38 = arith.cmpf ogt, %get3A_35, %select_n3A_29 : vector<16xf32>
      %gt3A_39 = arith.cmpf ogt, %get3A_35, %select_n3A_26 : vector<16xf32>
      %select_n3A_40 = arith.select %gt3A_39, %get3A_35, %select_n3A_26 : vector<16xi1>, vector<16xf32>
      %select_n3A_41 = arith.select %gt3A_38, %select_n3A_29, %select_n3A_40 : vector<16xi1>, vector<16xf32>
      %select_n3A_42 = arith.select %gt3A_39, %broadcast_in_dim3A_37, %select_n3A_28 : vector<16xi1>, vector<16xi32>
      %select_n3A_43 = arith.select %gt3A_38, %select_n3A_30, %select_n3A_42 : vector<16xi1>, vector<16xi32>
      %select_n3A_44 = arith.select %gt3A_38, %get3A_35, %select_n3A_29 : vector<16xi1>, vector<16xf32>
      %select_n3A_45 = arith.select %gt3A_38, %broadcast_in_dim3A_37, %select_n3A_30 : vector<16xi1>, vector<16xi32>
      %get3A_46 = arith.constant 3 : i32
      %get3A_47 = arith.index_cast %get3A_46 : i32 to index
      %get3A_48 = arith.index_cast %mul3A_13 : i32 to index
      %get3A_49 = tpu.vector_load %arg5[%get3A_47, %get3A_48] {strides = array<i32>} : memref<64x1024xf32, #tpu.memory_space<vmem>>, vector<1x16xf32>,
      %get3A_50 = vector.shape_cast %get3A_49 : vector<1x16xf32> to vector<16xf32>
      %broadcast_in_dim3A_51 = arith.constant 3 : i32
      %broadcast_in_dim3A_52 = vector.broadcast %broadcast_in_dim3A_51 : i32 to vector<16xi32>
      %gt3A_53 = arith.cmpf ogt, %get3A_50, %select_n3A_44 : vector<16xf32>
      %gt3A_54 = arith.cmpf ogt, %get3A_50, %select_n3A_41 : vector<16xf32>
      %select_n3A_55 = arith.select %gt3A_54, %get3A_50, %select_n3A_41 : vector<16xi1>, vector<16xf32>
      %select_n3A_56 = arith.select %gt3A_53, %select_n3A_44, %select_n3A_55 : vector<16xi1>, vector<16xf32>
      %select_n3A_57 = arith.select %gt3A_54, %broadcast_in_dim3A_52, %select_n3A_43 : vector<16xi1>, vector<16xi32>
      %select_n3A_58 = arith.select %gt3A_53, %select_n3A_45, %select_n3A_57 : vector<16xi1>, vector<16xi32>
      %select_n3A_59 = arith.select %gt3A_53, %get3A_50, %select_n3A_44 : vector<16xi1>, vector<16xf32>
      %select_n3A_60 = arith.select %gt3A_53, %broadcast_in_dim3A_52, %select_n3A_45 : vector<16xi1>, vector<16xi32>
      %get3A_61 = arith.constant 4 : i32
      %get3A_62 = arith.index_cast %get3A_61 : i32 to index
      %get3A_63 = arith.index_cast %mul3A_13 : i32 to index
      %get3A_64 = tpu.vector_load %arg5[%get3A_62, %get3A_63] {strides = array<i32>} : memref<64x1024xf32, #tpu.memory_space<vmem>>, vector<1x16xf32>,
      %get3A_65 = vector.shape_cast %get3A_64 : vector<1x16xf32> to vector<16xf32>
      %broadcast_in_dim3A_66 = arith.constant 4 : i32
      %broadcast_in_dim3A_67 = vector.broadcast %broadcast_in_dim3A_66 : i32 to vector<16xi32>
      %gt3A_68 = arith.cmpf ogt, %get3A_65, %select_n3A_59 : vector<16xf32>
      %gt3A_69 = arith.cmpf ogt, %get3A_65, %select_n3A_56 : vector<16xf32>
      %select_n3A_70 = arith.select %gt3A_69, %get3A_65, %select_n3A_56 : vector<16xi1>, vector<16xf32>
      %select_n3A_71 = arith.select %gt3A_68, %select_n3A_59, %select_n3A_70 : vector<16xi1>, vector<16xf32>
      %select_n3A_72 = arith.select %gt3A_69, %broadcast_in_dim3A_67, %select_n3A_58 : vector<16xi1>, vector<16xi32>
      %select_n3A_73 = arith.select %gt3A_68, %select_n3A_60, %select_n3A_72 : vector<16xi1>, vector<16xi32>
      %select_n3A_74 = arith.select %gt3A_68, %get3A_65, %select_n3A_59 : vector<16xi1>, vector<16xf32>
      %select_n3A_75 = arith.select %gt3A_68, %broadcast_in_dim3A_67, %select_n3A_60 : vector<16xi1>, vector<16xi32>
      %get3A_76 = arith.constant 5 : i32
      %get3A_77 = arith.index_cast %get3A_76 : i32 to index
      %get3A_78 = arith.index_cast %mul3A_13 : i32 to index
      %get3A_79 = tpu.vector_load %arg5[%get3A_77, %get3A_78] {strides = array<i32>} : memref<64x1024xf32, #tpu.memory_space<vmem>>, vector<1x16xf32>,
      %get3A_80 = vector.shape_cast %get3A_79 : vector<1x16xf32> to vector<16xf32>
      %broadcast_in_dim3A_81 = arith.constant 5 : i32
      %broadcast_in_dim3A_82 = vector.broadcast %broadcast_in_dim3A_81 : i32 to vector<16xi32>
      %gt3A_83 = arith.cmpf ogt, %get3A_80, %select_n3A_74 : vector<16xf32>
      %gt3A_84 = arith.cmpf ogt, %get3A_80, %select_n3A_71 : vector<16xf32>
      %select_n3A_85 = arith.select %gt3A_84, %get3A_80, %select_n3A_71 : vector<16xi1>, vector<16xf32>
      %select_n3A_86 = arith.select %gt3A_83, %select_n3A_74, %select_n3A_85 : vector<16xi1>, vector<16xf32>
      %select_n3A_87 = arith.select %gt3A_84, %broadcast_in_dim3A_82, %select_n3A_73 : vector<16xi1>, vector<16xi32>
      %select_n3A_88 = arith.select %gt3A_83, %select_n3A_75, %select_n3A_87 : vector<16xi1>, vector<16xi32>
      %select_n3A_89 = arith.select %gt3A_83, %get3A_80, %select_n3A_74 : vector<16xi1>, vector<16xf32>
      %select_n3A_90 = arith.select %gt3A_83, %broadcast_in_dim3A_82, %select_n3A_75 : vector<16xi1>, vector<16xi32>
      %get3A_91 = arith.constant 6 : i32
      %get3A_92 = arith.index_cast %get3A_91 : i32 to index
      %get3A_93 = arith.index_cast %mul3A_13 : i32 to index
      %get3A_94 = tpu.vector_load %arg5[%get3A_92, %get3A_93] {strides = array<i32>} : memref<64x1024xf32, #tpu.memory_space<vmem>>, vector<1x16xf32>,
      %get3A_95 = vector.shape_cast %get3A_94 : vector<1x16xf32> to vector<16xf32>
      %broadcast_in_dim3A_96 = arith.constant 6 : i32
      %broadcast_in_dim3A_97 = vector.broadcast %broadcast_in_dim3A_96 : i32 to vector<16xi32>
      %gt3A_98 = arith.cmpf ogt, %get3A_95, %select_n3A_89 : vector<16xf32>
      %gt3A_99 = arith.cmpf ogt, %get3A_95, %select_n3A_86 : vector<16xf32>
      %select_n3A_100 = arith.select %gt3A_99, %get3A_95, %select_n3A_86 : vector<16xi1>, vector<16xf32>
      %select_n3A_101 = arith.select %gt3A_98, %select_n3A_89, %select_n3A_100 : vector<16xi1>, vector<16xf32>
      %select_n3A_102 = arith.select %gt3A_99, %broadcast_in_dim3A_97, %select_n3A_88 : vector<16xi1>, vector<16xi32>
      %select_n3A_103 = arith.select %gt3A_98, %select_n3A_90, %select_n3A_102 : vector<16xi1>, vector<16xi32>
      %select_n3A_104 = arith.select %gt3A_98, %get3A_95, %select_n3A_89 : vector<16xi1>, vector<16xf32>
      %select_n3A_105 = arith.select %gt3A_98, %broadcast_in_dim3A_97, %select_n3A_90 : vector<16xi1>, vector<16xi32>
      %get3A_106 = arith.constant 7 : i32
      %get3A_107 = arith.index_cast %get3A_106 : i32 to index
      %get3A_108 = arith.index_cast %mul3A_13 : i32 to index
      %get3A_109 = tpu.vector_load %arg5[%get3A_107, %get3A_108] {strides = array<i32>} : memref<64x1024xf32, #tpu.memory_space<vmem>>, vector<1x16xf32>,
      %get3A_110 = vector.shape_cast %get3A_109 : vector<1x16xf32> to vector<16xf32>
      %broadcast_in_dim3A_111 = arith.constant 7 : i32
      %broadcast_in_dim3A_112 = vector.broadcast %broadcast_in_dim3A_111 : i32 to vector<16xi32>
      %gt3A_113 = arith.cmpf ogt, %get3A_110, %select_n3A_104 : vector<16xf32>
      %gt3A_114 = arith.cmpf ogt, %get3A_110, %select_n3A_101 : vector<16xf32>
      %select_n3A_115 = arith.select %gt3A_114, %get3A_110, %select_n3A_101 : vector<16xi1>, vector<16xf32>
      %select_n3A_116 = arith.select %gt3A_113, %select_n3A_104, %select_n3A_115 : vector<16xi1>, vector<16xf32>
      %select_n3A_117 = arith.select %gt3A_114, %broadcast_in_dim3A_112, %select_n3A_103 : vector<16xi1>, vector<16xi32>
      %select_n3A_118 = arith.select %gt3A_113, %select_n3A_105, %select_n3A_117 : vector<16xi1>, vector<16xi32>
      %select_n3A_119 = arith.select %gt3A_113, %get3A_110, %select_n3A_104 : vector<16xi1>, vector<16xf32>
      %select_n3A_120 = arith.select %gt3A_113, %broadcast_in_dim3A_112, %select_n3A_105 : vector<16xi1>, vector<16xi32>
      %get3A_121 = arith.constant 8 : i32
      %get3A_122 = arith.index_cast %get3A_121 : i32 to index
      %get3A_123 = arith.index_cast %mul3A_13 : i32 to index
      %get3A_124 = tpu.vector_load %arg5[%get3A_122, %get3A_123] {strides = array<i32>} : memref<64x1024xf32, #tpu.memory_space<vmem>>, vector<1x16xf32>,
      %get3A_125 = vector.shape_cast %get3A_124 : vector<1x16xf32> to vector<16xf32>
      %broadcast_in_dim3A_126 = arith.constant 8 : i32
      %broadcast_in_dim3A_127 = vector.broadcast %broadcast_in_dim3A_126 : i32 to vector<16xi32>
      %gt3A_128 = arith.cmpf ogt, %get3A_125, %select_n3A_119 : vector<16xf32>
      %gt3A_129 = arith.cmpf ogt, %get3A_125, %select_n3A_116 : vector<16xf32>
      %select_n3A_130 = arith.select %gt3A_129, %get3A_125, %select_n3A_116 : vector<16xi1>, vector<16xf32>
      %select_n3A_131 = arith.select %gt3A_128, %select_n3A_119, %select_n3A_130 : vector<16xi1>, vector<16xf32>
      %select_n3A_132 = arith.select %gt3A_129, %broadcast_in_dim3A_127, %select_n3A_118 : vector<16xi1>, vector<16xi32>
      %select_n3A_133 = arith.select %gt3A_128, %select_n3A_120, %select_n3A_132 : vector<16xi1>, vector<16xi32>
      %select_n3A_134 = arith.select %gt3A_128, %get3A_125, %select_n3A_119 : vector<16xi1>, vector<16xf32>
      %select_n3A_135 = arith.select %gt3A_128, %broadcast_in_dim3A_127, %select_n3A_120 : vector<16xi1>, vector<16xi32>
      %get3A_136 = arith.constant 9 : i32
      %get3A_137 = arith.index_cast %get3A_136 : i32 to index
      %get3A_138 = arith.index_cast %mul3A_13 : i32 to index
      %get3A_139 = tpu.vector_load %arg5[%get3A_137, %get3A_138] {strides = array<i32>} : memref<64x1024xf32, #tpu.memory_space<vmem>>, vector<1x16xf32>,
      %get3A_140 = vector.shape_cast %get3A_139 : vector<1x16xf32> to vector<16xf32>
      %broadcast_in_dim3A_141 = arith.constant 9 : i32
      %broadcast_in_dim3A_142 = vector.broadcast %broadcast_in_dim3A_141 : i32 to vector<16xi32>
      %gt3A_143 = arith.cmpf ogt, %get3A_140, %select_n3A_134 : vector<16xf32>
      %gt3A_144 = arith.cmpf ogt, %get3A_140, %select_n3A_131 : vector<16xf32>
      %select_n3A_145 = arith.select %gt3A_144, %get3A_140, %select_n3A_131 : vector<16xi1>, vector<16xf32>
      %select_n3A_146 = arith.select %gt3A_143, %select_n3A_134, %select_n3A_145 : vector<16xi1>, vector<16xf32>
      %select_n3A_147 = arith.select %gt3A_144, %broadcast_in_dim3A_142, %select_n3A_133 : vector<16xi1>, vector<16xi32>
      %select_n3A_148 = arith.select %gt3A_143, %select_n3A_135, %select_n3A_147 : vector<16xi1>, vector<16xi32>
      %select_n3A_149 = arith.select %gt3A_143, %get3A_140, %select_n3A_134 : vector<16xi1>, vector<16xf32>
      %select_n3A_150 = arith.select %gt3A_143, %broadcast_in_dim3A_142, %select_n3A_135 : vector<16xi1>, vector<16xi32>
      %get3A_151 = arith.constant 10 : i32
      %get3A_152 = arith.index_cast %get3A_151 : i32 to index
      %get3A_153 = arith.index_cast %mul3A_13 : i32 to index
      %get3A_154 = tpu.vector_load %arg5[%get3A_152, %get3A_153] {strides = array<i32>} : memref<64x1024xf32, #tpu.memory_space<vmem>>, vector<1x16xf32>,
      %get3A_155 = vector.shape_cast %get3A_154 : vector<1x16xf32> to vector<16xf32>
      %broadcast_in_dim3A_156 = arith.constant 10 : i32
      %broadcast_in_dim3A_157 = vector.broadcast %broadcast_in_dim3A_156 : i32 to vector<16xi32>
      %gt3A_158 = arith.cmpf ogt, %get3A_155, %select_n3A_149 : vector<16xf32>
      %gt3A_159 = arith.cmpf ogt, %get3A_155, %select_n3A_146 : vector<16xf32>
      %select_n3A_160 = arith.select %gt3A_159, %get3A_155, %select_n3A_146 : vector<16xi1>, vector<16xf32>
      %select_n3A_161 = arith.select %gt3A_158, %select_n3A_149, %select_n3A_160 : vector<16xi1>, vector<16xf32>
      %select_n3A_162 = arith.select %gt3A_159, %broadcast_in_dim3A_157, %select_n3A_148 : vector<16xi1>, vector<16xi32>
      %select_n3A_163 = arith.select %gt3A_158, %select_n3A_150, %select_n3A_162 : vector<16xi1>, vector<16xi32>
      %select_n3A_164 = arith.select %gt3A_158, %get3A_155, %select_n3A_149 : vector<16xi1>, vector<16xf32>
      %select_n3A_165 = arith.select %gt3A_158, %broadcast_in_dim3A_157, %select_n3A_150 : vector<16xi1>, vector<16xi32>
      %get3A_166 = arith.constant 11 : i32
      %get3A_167 = arith.index_cast %get3A_166 : i32 to index
      %get3A_168 = arith.index_cast %mul3A_13 : i32 to index
      %get3A_169 = tpu.vector_load %arg5[%get3A_167, %get3A_168] {strides = array<i32>} : memref<64x1024xf32, #tpu.memory_space<vmem>>, vector<1x16xf32>,
      %get3A_170 = vector.shape_cast %get3A_169 : vector<1x16xf32> to vector<16xf32>
      %broadcast_in_dim3A_171 = arith.constant 11 : i32
      %broadcast_in_dim3A_172 = vector.broadcast %broadcast_in_dim3A_171 : i32 to vector<16xi32>
      %gt3A_173 = arith.cmpf ogt, %get3A_170, %select_n3A_164 : vector<16xf32>
      %gt3A_174 = arith.cmpf ogt, %get3A_170, %select_n3A_161 : vector<16xf32>
      %select_n3A_175 = arith.select %gt3A_174, %get3A_170, %select_n3A_161 : vector<16xi1>, vector<16xf32>
      %select_n3A_176 = arith.select %gt3A_173, %select_n3A_164, %select_n3A_175 : vector<16xi1>, vector<16xf32>
      %select_n3A_177 = arith.select %gt3A_174, %broadcast_in_dim3A_172, %select_n3A_163 : vector<16xi1>, vector<16xi32>
      %select_n3A_178 = arith.select %gt3A_173, %select_n3A_165, %select_n3A_177 : vector<16xi1>, vector<16xi32>
      %select_n3A_179 = arith.select %gt3A_173, %get3A_170, %select_n3A_164 : vector<16xi1>, vector<16xf32>
      %select_n3A_180 = arith.select %gt3A_173, %broadcast_in_dim3A_172, %select_n3A_165 : vector<16xi1>, vector<16xi32>
      %get3A_181 = arith.constant 12 : i32
      %get3A_182 = arith.index_cast %get3A_181 : i32 to index
      %get3A_183 = arith.index_cast %mul3A_13 : i32 to index
      %get3A_184 = tpu.vector_load %arg5[%get3A_182, %get3A_183] {strides = array<i32>} : memref<64x1024xf32, #tpu.memory_space<vmem>>, vector<1x16xf32>,
      %get3A_185 = vector.shape_cast %get3A_184 : vector<1x16xf32> to vector<16xf32>
      %broadcast_in_dim3A_186 = arith.constant 12 : i32
      %broadcast_in_dim3A_187 = vector.broadcast %broadcast_in_dim3A_186 : i32 to vector<16xi32>
      %gt3A_188 = arith.cmpf ogt, %get3A_185, %select_n3A_179 : vector<16xf32>
      %gt3A_189 = arith.cmpf ogt, %get3A_185, %select_n3A_176 : vector<16xf32>
      %select_n3A_190 = arith.select %gt3A_189, %get3A_185, %select_n3A_176 : vector<16xi1>, vector<16xf32>
      %select_n3A_191 = arith.select %gt3A_188, %select_n3A_179, %select_n3A_190 : vector<16xi1>, vector<16xf32>
      %select_n3A_192 = arith.select %gt3A_189, %broadcast_in_dim3A_187, %select_n3A_178 : vector<16xi1>, vector<16xi32>
      %select_n3A_193 = arith.select %gt3A_188, %select_n3A_180, %select_n3A_192 : vector<16xi1>, vector<16xi32>
      %select_n3A_194 = arith.select %gt3A_188, %get3A_185, %select_n3A_179 : vector<16xi1>, vector<16xf32>
      %select_n3A_195 = arith.select %gt3A_188, %broadcast_in_dim3A_187, %select_n3A_180 : vector<16xi1>, vector<16xi32>
      %get3A_196 = arith.constant 13 : i32
      %get3A_197 = arith.index_cast %get3A_196 : i32 to index
      %get3A_198 = arith.index_cast %mul3A_13 : i32 to index
      %get3A_199 = tpu.vector_load %arg5[%get3A_197, %get3A_198] {strides = array<i32>} : memref<64x1024xf32, #tpu.memory_space<vmem>>, vector<1x16xf32>,
      %get3A_200 = vector.shape_cast %get3A_199 : vector<1x16xf32> to vector<16xf32>
      %broadcast_in_dim3A_201 = arith.constant 13 : i32
      %broadcast_in_dim3A_202 = vector.broadcast %broadcast_in_dim3A_201 : i32 to vector<16xi32>
      %gt3A_203 = arith.cmpf ogt, %get3A_200, %select_n3A_194 : vector<16xf32>
      %gt3A_204 = arith.cmpf ogt, %get3A_200, %select_n3A_191 : vector<16xf32>
      %select_n3A_205 = arith.select %gt3A_204, %get3A_200, %select_n3A_191 : vector<16xi1>, vector<16xf32>
      %select_n3A_206 = arith.select %gt3A_203, %select_n3A_194, %select_n3A_205 : vector<16xi1>, vector<16xf32>
      %select_n3A_207 = arith.select %gt3A_204, %broadcast_in_dim3A_202, %select_n3A_193 : vector<16xi1>, vector<16xi32>
      %select_n3A_208 = arith.select %gt3A_203, %select_n3A_195, %select_n3A_207 : vector<16xi1>, vector<16xi32>
      %select_n3A_209 = arith.select %gt3A_203, %get3A_200, %select_n3A_194 : vector<16xi1>, vector<16xf32>
      %select_n3A_210 = arith.select %gt3A_203, %broadcast_in_dim3A_202, %select_n3A_195 : vector<16xi1>, vector<16xi32>
      %get3A_211 = arith.constant 14 : i32
      %get3A_212 = arith.index_cast %get3A_211 : i32 to index
      %get3A_213 = arith.index_cast %mul3A_13 : i32 to index
      %get3A_214 = tpu.vector_load %arg5[%get3A_212, %get3A_213] {strides = array<i32>} : memref<64x1024xf32, #tpu.memory_space<vmem>>, vector<1x16xf32>,
      %get3A_215 = vector.shape_cast %get3A_214 : vector<1x16xf32> to vector<16xf32>
      %broadcast_in_dim3A_216 = arith.constant 14 : i32
      %broadcast_in_dim3A_217 = vector.broadcast %broadcast_in_dim3A_216 : i32 to vector<16xi32>
      %gt3A_218 = arith.cmpf ogt, %get3A_215, %select_n3A_209 : vector<16xf32>
      %gt3A_219 = arith.cmpf ogt, %get3A_215, %select_n3A_206 : vector<16xf32>
      %select_n3A_220 = arith.select %gt3A_219, %get3A_215, %select_n3A_206 : vector<16xi1>, vector<16xf32>
      %select_n3A_221 = arith.select %gt3A_218, %select_n3A_209, %select_n3A_220 : vector<16xi1>, vector<16xf32>
      %select_n3A_222 = arith.select %gt3A_219, %broadcast_in_dim3A_217, %select_n3A_208 : vector<16xi1>, vector<16xi32>
      %select_n3A_223 = arith.select %gt3A_218, %select_n3A_210, %select_n3A_222 : vector<16xi1>, vector<16xi32>
      %select_n3A_224 = arith.select %gt3A_218, %get3A_215, %select_n3A_209 : vector<16xi1>, vector<16xf32>
      %select_n3A_225 = arith.select %gt3A_218, %broadcast_in_dim3A_217, %select_n3A_210 : vector<16xi1>, vector<16xi32>
      %get3A_226 = arith.constant 15 : i32
      %get3A_227 = arith.index_cast %get3A_226 : i32 to index
      %get3A_228 = arith.index_cast %mul3A_13 : i32 to index
      %get3A_229 = tpu.vector_load %arg5[%get3A_227, %get3A_228] {strides = array<i32>} : memref<64x1024xf32, #tpu.memory_space<vmem>>, vector<1x16xf32>,
      %get3A_230 = vector.shape_cast %get3A_229 : vector<1x16xf32> to vector<16xf32>
      %broadcast_in_dim3A_231 = arith.constant 15 : i32
      %broadcast_in_dim3A_232 = vector.broadcast %broadcast_in_dim3A_231 : i32 to vector<16xi32>
      %gt3A_233 = arith.cmpf ogt, %get3A_230, %select_n3A_224 : vector<16xf32>
      %gt3A_234 = arith.cmpf ogt, %get3A_230, %select_n3A_221 : vector<16xf32>
      %select_n3A_235 = arith.select %gt3A_234, %get3A_230, %select_n3A_221 : vector<16xi1>, vector<16xf32>
      %select_n3A_236 = arith.select %gt3A_233, %select_n3A_224, %select_n3A_235 : vector<16xi1>, vector<16xf32>
      %select_n3A_237 = arith.select %gt3A_234, %broadcast_in_dim3A_232, %select_n3A_223 : vector<16xi1>, vector<16xi32>
      %select_n3A_238 = arith.select %gt3A_233, %select_n3A_225, %select_n3A_237 : vector<16xi1>, vector<16xi32>
      %select_n3A_239 = arith.select %gt3A_233, %get3A_230, %select_n3A_224 : vector<16xi1>, vector<16xf32>
      %select_n3A_240 = arith.select %gt3A_233, %broadcast_in_dim3A_232, %select_n3A_225 : vector<16xi1>, vector<16xi32>
      %get3A_241 = arith.constant 16 : i32
      %get3A_242 = arith.index_cast %get3A_241 : i32 to index
      %get3A_243 = arith.index_cast %mul3A_13 : i32 to index
      %get3A_244 = tpu.vector_load %arg5[%get3A_242, %get3A_243] {strides = array<i32>} : memref<64x1024xf32, #tpu.memory_space<vmem>>, vector<1x16xf32>,
      %get3A_245 = vector.shape_cast %get3A_244 : vector<1x16xf32> to vector<16xf32>
      %broadcast_in_dim3A_246 = arith.constant 16 : i32
      %broadcast_in_dim3A_247 = vector.broadcast %broadcast_in_dim3A_246 : i32 to vector<16xi32>
      %gt3A_248 = arith.cmpf ogt, %get3A_245, %select_n3A_239 : vector<16xf32>
      %gt3A_249 = arith.cmpf ogt, %get3A_245, %select_n3A_236 : vector<16xf32>
      %select_n3A_250 = arith.select %gt3A_249, %get3A_245, %select_n3A_236 : vector<16xi1>, vector<16xf32>
      %select_n3A_251 = arith.select %gt3A_248, %select_n3A_239, %select_n3A_250 : vector<16xi1>, vector<16xf32>
      %select_n3A_252 = arith.select %gt3A_249, %broadcast_in_dim3A_247, %select_n3A_238 : vector<16xi1>, vector<16xi32>
      %select_n3A_253 = arith.select %gt3A_248, %select_n3A_240, %select_n3A_252 : vector<16xi1>, vector<16xi32>
      %select_n3A_254 = arith.select %gt3A_248, %get3A_245, %select_n3A_239 : vector<16xi1>, vector<16xf32>
      %select_n3A_255 = arith.select %gt3A_248, %broadcast_in_dim3A_247, %select_n3A_240 : vector<16xi1>, vector<16xi32>
      %get3A_256 = arith.constant 17 : i32
      %get3A_257 = arith.index_cast %get3A_256 : i32 to index
      %get3A_258 = arith.index_cast %mul3A_13 : i32 to index
      %get3A_259 = tpu.vector_load %arg5[%get3A_257, %get3A_258] {strides = array<i32>} : memref<64x1024xf32, #tpu.memory_space<vmem>>, vector<1x16xf32>,
      %get3A_260 = vector.shape_cast %get3A_259 : vector<1x16xf32> to vector<16xf32>
      %broadcast_in_dim3A_261 = arith.constant 17 : i32
      %broadcast_in_dim3A_262 = vector.broadcast %broadcast_in_dim3A_261 : i32 to vector<16xi32>
      %gt3A_263 = arith.cmpf ogt, %get3A_260, %select_n3A_254 : vector<16xf32>
      %gt3A_264 = arith.cmpf ogt, %get3A_260, %select_n3A_251 : vector<16xf32>
      %select_n3A_265 = arith.select %gt3A_264, %get3A_260, %select_n3A_251 : vector<16xi1>, vector<16xf32>
      %select_n3A_266 = arith.select %gt3A_263, %select_n3A_254, %select_n3A_265 : vector<16xi1>, vector<16xf32>
      %select_n3A_267 = arith.select %gt3A_264, %broadcast_in_dim3A_262, %select_n3A_253 : vector<16xi1>, vector<16xi32>
      %select_n3A_268 = arith.select %gt3A_263, %select_n3A_255, %select_n3A_267 : vector<16xi1>, vector<16xi32>
      %select_n3A_269 = arith.select %gt3A_263, %get3A_260, %select_n3A_254 : vector<16xi1>, vector<16xf32>
      %select_n3A_270 = arith.select %gt3A_263, %broadcast_in_dim3A_262, %select_n3A_255 : vector<16xi1>, vector<16xi32>
      %get3A_271 = arith.constant 18 : i32
      %get3A_272 = arith.index_cast %get3A_271 : i32 to index
      %get3A_273 = arith.index_cast %mul3A_13 : i32 to index
      %get3A_274 = tpu.vector_load %arg5[%get3A_272, %get3A_273] {strides = array<i32>} : memref<64x1024xf32, #tpu.memory_space<vmem>>, vector<1x16xf32>,
      %get3A_275 = vector.shape_cast %get3A_274 : vector<1x16xf32> to vector<16xf32>
      %broadcast_in_dim3A_276 = arith.constant 18 : i32
      %broadcast_in_dim3A_277 = vector.broadcast %broadcast_in_dim3A_276 : i32 to vector<16xi32>
      %gt3A_278 = arith.cmpf ogt, %get3A_275, %select_n3A_269 : vector<16xf32>
      %gt3A_279 = arith.cmpf ogt, %get3A_275, %select_n3A_266 : vector<16xf32>
      %select_n3A_280 = arith.select %gt3A_279, %get3A_275, %select_n3A_266 : vector<16xi1>, vector<16xf32>
      %select_n3A_281 = arith.select %gt3A_278, %select_n3A_269, %select_n3A_280 : vector<16xi1>, vector<16xf32>
      %select_n3A_282 = arith.select %gt3A_279, %broadcast_in_dim3A_277, %select_n3A_268 : vector<16xi1>, vector<16xi32>
      %select_n3A_283 = arith.select %gt3A_278, %select_n3A_270, %select_n3A_282 : vector<16xi1>, vector<16xi32>
      %select_n3A_284 = arith.select %gt3A_278, %get3A_275, %select_n3A_269 : vector<16xi1>, vector<16xf32>
      %select_n3A_285 = arith.select %gt3A_278, %broadcast_in_dim3A_277, %select_n3A_270 : vector<16xi1>, vector<16xi32>
      %get3A_286 = arith.constant 19 : i32
      %get3A_287 = arith.index_cast %get3A_286 : i32 to index
      %get3A_288 = arith.index_cast %mul3A_13 : i32 to index
      %get3A_289 = tpu.vector_load %arg5[%get3A_287, %get3A_288] {strides = array<i32>} : memref<64x1024xf32, #tpu.memory_space<vmem>>, vector<1x16xf32>,
      %get3A_290 = vector.shape_cast %get3A_289 : vector<1x16xf32> to vector<16xf32>
      %broadcast_in_dim3A_291 = arith.constant 19 : i32
      %broadcast_in_dim3A_292 = vector.broadcast %broadcast_in_dim3A_291 : i32 to vector<16xi32>
      %gt3A_293 = arith.cmpf ogt, %get3A_290, %select_n3A_284 : vector<16xf32>
      %gt3A_294 = arith.cmpf ogt, %get3A_290, %select_n3A_281 : vector<16xf32>
      %select_n3A_295 = arith.select %gt3A_294, %get3A_290, %select_n3A_281 : vector<16xi1>, vector<16xf32>
      %select_n3A_296 = arith.select %gt3A_293, %select_n3A_284, %select_n3A_295 : vector<16xi1>, vector<16xf32>
      %select_n3A_297 = arith.select %gt3A_294, %broadcast_in_dim3A_292, %select_n3A_283 : vector<16xi1>, vector<16xi32>
      %select_n3A_298 = arith.select %gt3A_293, %select_n3A_285, %select_n3A_297 : vector<16xi1>, vector<16xi32>
      %select_n3A_299 = arith.select %gt3A_293, %get3A_290, %select_n3A_284 : vector<16xi1>, vector<16xf32>
      %select_n3A_300 = arith.select %gt3A_293, %broadcast_in_dim3A_292, %select_n3A_285 : vector<16xi1>, vector<16xi32>
      %get3A_301 = arith.constant 20 : i32
      %get3A_302 = arith.index_cast %get3A_301 : i32 to index
      %get3A_303 = arith.index_cast %mul3A_13 : i32 to index
      %get3A_304 = tpu.vector_load %arg5[%get3A_302, %get3A_303] {strides = array<i32>} : memref<64x1024xf32, #tpu.memory_space<vmem>>, vector<1x16xf32>,
      %get3A_305 = vector.shape_cast %get3A_304 : vector<1x16xf32> to vector<16xf32>
      %broadcast_in_dim3A_306 = arith.constant 20 : i32
      %broadcast_in_dim3A_307 = vector.broadcast %broadcast_in_dim3A_306 : i32 to vector<16xi32>
      %gt3A_308 = arith.cmpf ogt, %get3A_305, %select_n3A_299 : vector<16xf32>
      %gt3A_309 = arith.cmpf ogt, %get3A_305, %select_n3A_296 : vector<16xf32>
      %select_n3A_310 = arith.select %gt3A_309, %get3A_305, %select_n3A_296 : vector<16xi1>, vector<16xf32>
      %select_n3A_311 = arith.select %gt3A_308, %select_n3A_299, %select_n3A_310 : vector<16xi1>, vector<16xf32>
      %select_n3A_312 = arith.select %gt3A_309, %broadcast_in_dim3A_307, %select_n3A_298 : vector<16xi1>, vector<16xi32>
      %select_n3A_313 = arith.select %gt3A_308, %select_n3A_300, %select_n3A_312 : vector<16xi1>, vector<16xi32>
      %select_n3A_314 = arith.select %gt3A_308, %get3A_305, %select_n3A_299 : vector<16xi1>, vector<16xf32>
      %select_n3A_315 = arith.select %gt3A_308, %broadcast_in_dim3A_307, %select_n3A_300 : vector<16xi1>, vector<16xi32>
      %get3A_316 = arith.constant 21 : i32
      %get3A_317 = arith.index_cast %get3A_316 : i32 to index
      %get3A_318 = arith.index_cast %mul3A_13 : i32 to index
      %get3A_319 = tpu.vector_load %arg5[%get3A_317, %get3A_318] {strides = array<i32>} : memref<64x1024xf32, #tpu.memory_space<vmem>>, vector<1x16xf32>,
      %get3A_320 = vector.shape_cast %get3A_319 : vector<1x16xf32> to vector<16xf32>
      %broadcast_in_dim3A_321 = arith.constant 21 : i32
      %broadcast_in_dim3A_322 = vector.broadcast %broadcast_in_dim3A_321 : i32 to vector<16xi32>
      %gt3A_323 = arith.cmpf ogt, %get3A_320, %select_n3A_314 : vector<16xf32>
      %gt3A_324 = arith.cmpf ogt, %get3A_320, %select_n3A_311 : vector<16xf32>
      %select_n3A_325 = arith.select %gt3A_324, %get3A_320, %select_n3A_311 : vector<16xi1>, vector<16xf32>
      %select_n3A_326 = arith.select %gt3A_323, %select_n3A_314, %select_n3A_325 : vector<16xi1>, vector<16xf32>
      %select_n3A_327 = arith.select %gt3A_324, %broadcast_in_dim3A_322, %select_n3A_313 : vector<16xi1>, vector<16xi32>
      %select_n3A_328 = arith.select %gt3A_323, %select_n3A_315, %select_n3A_327 : vector<16xi1>, vector<16xi32>
      %select_n3A_329 = arith.select %gt3A_323, %get3A_320, %select_n3A_314 : vector<16xi1>, vector<16xf32>
      %select_n3A_330 = arith.select %gt3A_323, %broadcast_in_dim3A_322, %select_n3A_315 : vector<16xi1>, vector<16xi32>
      %get3A_331 = arith.constant 22 : i32
      %get3A_332 = arith.index_cast %get3A_331 : i32 to index
      %get3A_333 = arith.index_cast %mul3A_13 : i32 to index
      %get3A_334 = tpu.vector_load %arg5[%get3A_332, %get3A_333] {strides = array<i32>} : memref<64x1024xf32, #tpu.memory_space<vmem>>, vector<1x16xf32>,
      %get3A_335 = vector.shape_cast %get3A_334 : vector<1x16xf32> to vector<16xf32>
      %broadcast_in_dim3A_336 = arith.constant 22 : i32
      %broadcast_in_dim3A_337 = vector.broadcast %broadcast_in_dim3A_336 : i32 to vector<16xi32>
      %gt3A_338 = arith.cmpf ogt, %get3A_335, %select_n3A_329 : vector<16xf32>
      %gt3A_339 = arith.cmpf ogt, %get3A_335, %select_n3A_326 : vector<16xf32>
      %select_n3A_340 = arith.select %gt3A_339, %get3A_335, %select_n3A_326 : vector<16xi1>, vector<16xf32>
      %select_n3A_341 = arith.select %gt3A_338, %select_n3A_329, %select_n3A_340 : vector<16xi1>, vector<16xf32>
      %select_n3A_342 = arith.select %gt3A_339, %broadcast_in_dim3A_337, %select_n3A_328 : vector<16xi1>, vector<16xi32>
      %select_n3A_343 = arith.select %gt3A_338, %select_n3A_330, %select_n3A_342 : vector<16xi1>, vector<16xi32>
      %select_n3A_344 = arith.select %gt3A_338, %get3A_335, %select_n3A_329 : vector<16xi1>, vector<16xf32>
      %select_n3A_345 = arith.select %gt3A_338, %broadcast_in_dim3A_337, %select_n3A_330 : vector<16xi1>, vector<16xi32>
      %get3A_346 = arith.constant 23 : i32
      %get3A_347 = arith.index_cast %get3A_346 : i32 to index
      %get3A_348 = arith.index_cast %mul3A_13 : i32 to index
      %get3A_349 = tpu.vector_load %arg5[%get3A_347, %get3A_348] {strides = array<i32>} : memref<64x1024xf32, #tpu.memory_space<vmem>>, vector<1x16xf32>,
      %get3A_350 = vector.shape_cast %get3A_349 : vector<1x16xf32> to vector<16xf32>
      %broadcast_in_dim3A_351 = arith.constant 23 : i32
      %broadcast_in_dim3A_352 = vector.broadcast %broadcast_in_dim3A_351 : i32 to vector<16xi32>
      %gt3A_353 = arith.cmpf ogt, %get3A_350, %select_n3A_344 : vector<16xf32>
      %gt3A_354 = arith.cmpf ogt, %get3A_350, %select_n3A_341 : vector<16xf32>
      %select_n3A_355 = arith.select %gt3A_354, %get3A_350, %select_n3A_341 : vector<16xi1>, vector<16xf32>
      %select_n3A_356 = arith.select %gt3A_353, %select_n3A_344, %select_n3A_355 : vector<16xi1>, vector<16xf32>
      %select_n3A_357 = arith.select %gt3A_354, %broadcast_in_dim3A_352, %select_n3A_343 : vector<16xi1>, vector<16xi32>
      %select_n3A_358 = arith.select %gt3A_353, %select_n3A_345, %select_n3A_357 : vector<16xi1>, vector<16xi32>
      %select_n3A_359 = arith.select %gt3A_353, %get3A_350, %select_n3A_344 : vector<16xi1>, vector<16xf32>
      %select_n3A_360 = arith.select %gt3A_353, %broadcast_in_dim3A_352, %select_n3A_345 : vector<16xi1>, vector<16xi32>
      %get3A_361 = arith.constant 24 : i32
      %get3A_362 = arith.index_cast %get3A_361 : i32 to index
      %get3A_363 = arith.index_cast %mul3A_13 : i32 to index
      %get3A_364 = tpu.vector_load %arg5[%get3A_362, %get3A_363] {strides = array<i32>} : memref<64x1024xf32, #tpu.memory_space<vmem>>, vector<1x16xf32>,
      %get3A_365 = vector.shape_cast %get3A_364 : vector<1x16xf32> to vector<16xf32>
      %broadcast_in_dim3A_366 = arith.constant 24 : i32
      %broadcast_in_dim3A_367 = vector.broadcast %broadcast_in_dim3A_366 : i32 to vector<16xi32>
      %gt3A_368 = arith.cmpf ogt, %get3A_365, %select_n3A_359 : vector<16xf32>
      %gt3A_369 = arith.cmpf ogt, %get3A_365, %select_n3A_356 : vector<16xf32>
      %select_n3A_370 = arith.select %gt3A_369, %get3A_365, %select_n3A_356 : vector<16xi1>, vector<16xf32>
      %select_n3A_371 = arith.select %gt3A_368, %select_n3A_359, %select_n3A_370 : vector<16xi1>, vector<16xf32>
      %select_n3A_372 = arith.select %gt3A_369, %broadcast_in_dim3A_367, %select_n3A_358 : vector<16xi1>, vector<16xi32>
      %select_n3A_373 = arith.select %gt3A_368, %select_n3A_360, %select_n3A_372 : vector<16xi1>, vector<16xi32>
      %select_n3A_374 = arith.select %gt3A_368, %get3A_365, %select_n3A_359 : vector<16xi1>, vector<16xf32>
      %select_n3A_375 = arith.select %gt3A_368, %broadcast_in_dim3A_367, %select_n3A_360 : vector<16xi1>, vector<16xi32>
      %get3A_376 = arith.constant 25 : i32
      %get3A_377 = arith.index_cast %get3A_376 : i32 to index
      %get3A_378 = arith.index_cast %mul3A_13 : i32 to index
      %get3A_379 = tpu.vector_load %arg5[%get3A_377, %get3A_378] {strides = array<i32>} : memref<64x1024xf32, #tpu.memory_space<vmem>>, vector<1x16xf32>,
      %get3A_380 = vector.shape_cast %get3A_379 : vector<1x16xf32> to vector<16xf32>
      %broadcast_in_dim3A_381 = arith.constant 25 : i32
      %broadcast_in_dim3A_382 = vector.broadcast %broadcast_in_dim3A_381 : i32 to vector<16xi32>
      %gt3A_383 = arith.cmpf ogt, %get3A_380, %select_n3A_374 : vector<16xf32>
      %gt3A_384 = arith.cmpf ogt, %get3A_380, %select_n3A_371 : vector<16xf32>
      %select_n3A_385 = arith.select %gt3A_384, %get3A_380, %select_n3A_371 : vector<16xi1>, vector<16xf32>
      %select_n3A_386 = arith.select %gt3A_383, %select_n3A_374, %select_n3A_385 : vector<16xi1>, vector<16xf32>
      %select_n3A_387 = arith.select %gt3A_384, %broadcast_in_dim3A_382, %select_n3A_373 : vector<16xi1>, vector<16xi32>
      %select_n3A_388 = arith.select %gt3A_383, %select_n3A_375, %select_n3A_387 : vector<16xi1>, vector<16xi32>
      %select_n3A_389 = arith.select %gt3A_383, %get3A_380, %select_n3A_374 : vector<16xi1>, vector<16xf32>
      %select_n3A_390 = arith.select %gt3A_383, %broadcast_in_dim3A_382, %select_n3A_375 : vector<16xi1>, vector<16xi32>
      %get3A_391 = arith.constant 26 : i32
      %get3A_392 = arith.index_cast %get3A_391 : i32 to index
      %get3A_393 = arith.index_cast %mul3A_13 : i32 to index
      %get3A_394 = tpu.vector_load %arg5[%get3A_392, %get3A_393] {strides = array<i32>} : memref<64x1024xf32, #tpu.memory_space<vmem>>, vector<1x16xf32>,
      %get3A_395 = vector.shape_cast %get3A_394 : vector<1x16xf32> to vector<16xf32>
      %broadcast_in_dim3A_396 = arith.constant 26 : i32
      %broadcast_in_dim3A_397 = vector.broadcast %broadcast_in_dim3A_396 : i32 to vector<16xi32>
      %gt3A_398 = arith.cmpf ogt, %get3A_395, %select_n3A_389 : vector<16xf32>
      %gt3A_399 = arith.cmpf ogt, %get3A_395, %select_n3A_386 : vector<16xf32>
      %select_n3A_400 = arith.select %gt3A_399, %get3A_395, %select_n3A_386 : vector<16xi1>, vector<16xf32>
      %select_n3A_401 = arith.select %gt3A_398, %select_n3A_389, %select_n3A_400 : vector<16xi1>, vector<16xf32>
      %select_n3A_402 = arith.select %gt3A_399, %broadcast_in_dim3A_397, %select_n3A_388 : vector<16xi1>, vector<16xi32>
      %select_n3A_403 = arith.select %gt3A_398, %select_n3A_390, %select_n3A_402 : vector<16xi1>, vector<16xi32>
      %select_n3A_404 = arith.select %gt3A_398, %get3A_395, %select_n3A_389 : vector<16xi1>, vector<16xf32>
      %select_n3A_405 = arith.select %gt3A_398, %broadcast_in_dim3A_397, %select_n3A_390 : vector<16xi1>, vector<16xi32>
      %get3A_406 = arith.constant 27 : i32
      %get3A_407 = arith.index_cast %get3A_406 : i32 to index
      %get3A_408 = arith.index_cast %mul3A_13 : i32 to index
      %get3A_409 = tpu.vector_load %arg5[%get3A_407, %get3A_408] {strides = array<i32>} : memref<64x1024xf32, #tpu.memory_space<vmem>>, vector<1x16xf32>,
      %get3A_410 = vector.shape_cast %get3A_409 : vector<1x16xf32> to vector<16xf32>
      %broadcast_in_dim3A_411 = arith.constant 27 : i32
      %broadcast_in_dim3A_412 = vector.broadcast %broadcast_in_dim3A_411 : i32 to vector<16xi32>
      %gt3A_413 = arith.cmpf ogt, %get3A_410, %select_n3A_404 : vector<16xf32>
      %gt3A_414 = arith.cmpf ogt, %get3A_410, %select_n3A_401 : vector<16xf32>
      %select_n3A_415 = arith.select %gt3A_414, %get3A_410, %select_n3A_401 : vector<16xi1>, vector<16xf32>
      %select_n3A_416 = arith.select %gt3A_413, %select_n3A_404, %select_n3A_415 : vector<16xi1>, vector<16xf32>
      %select_n3A_417 = arith.select %gt3A_414, %broadcast_in_dim3A_412, %select_n3A_403 : vector<16xi1>, vector<16xi32>
      %select_n3A_418 = arith.select %gt3A_413, %select_n3A_405, %select_n3A_417 : vector<16xi1>, vector<16xi32>
      %select_n3A_419 = arith.select %gt3A_413, %get3A_410, %select_n3A_404 : vector<16xi1>, vector<16xf32>
      %select_n3A_420 = arith.select %gt3A_413, %broadcast_in_dim3A_412, %select_n3A_405 : vector<16xi1>, vector<16xi32>
      %get3A_421 = arith.constant 28 : i32
      %get3A_422 = arith.index_cast %get3A_421 : i32 to index
      %get3A_423 = arith.index_cast %mul3A_13 : i32 to index
      %get3A_424 = tpu.vector_load %arg5[%get3A_422, %get3A_423] {strides = array<i32>} : memref<64x1024xf32, #tpu.memory_space<vmem>>, vector<1x16xf32>,
      %get3A_425 = vector.shape_cast %get3A_424 : vector<1x16xf32> to vector<16xf32>
      %broadcast_in_dim3A_426 = arith.constant 28 : i32
      %broadcast_in_dim3A_427 = vector.broadcast %broadcast_in_dim3A_426 : i32 to vector<16xi32>
      %gt3A_428 = arith.cmpf ogt, %get3A_425, %select_n3A_419 : vector<16xf32>
      %gt3A_429 = arith.cmpf ogt, %get3A_425, %select_n3A_416 : vector<16xf32>
      %select_n3A_430 = arith.select %gt3A_429, %get3A_425, %select_n3A_416 : vector<16xi1>, vector<16xf32>
      %select_n3A_431 = arith.select %gt3A_428, %select_n3A_419, %select_n3A_430 : vector<16xi1>, vector<16xf32>
      %select_n3A_432 = arith.select %gt3A_429, %broadcast_in_dim3A_427, %select_n3A_418 : vector<16xi1>, vector<16xi32>
      %select_n3A_433 = arith.select %gt3A_428, %select_n3A_420, %select_n3A_432 : vector<16xi1>, vector<16xi32>
      %select_n3A_434 = arith.select %gt3A_428, %get3A_425, %select_n3A_419 : vector<16xi1>, vector<16xf32>
      %select_n3A_435 = arith.select %gt3A_428, %broadcast_in_dim3A_427, %select_n3A_420 : vector<16xi1>, vector<16xi32>
      %get3A_436 = arith.constant 29 : i32
      %get3A_437 = arith.index_cast %get3A_436 : i32 to index
      %get3A_438 = arith.index_cast %mul3A_13 : i32 to index
      %get3A_439 = tpu.vector_load %arg5[%get3A_437, %get3A_438] {strides = array<i32>} : memref<64x1024xf32, #tpu.memory_space<vmem>>, vector<1x16xf32>,
      %get3A_440 = vector.shape_cast %get3A_439 : vector<1x16xf32> to vector<16xf32>
      %broadcast_in_dim3A_441 = arith.constant 29 : i32
      %broadcast_in_dim3A_442 = vector.broadcast %broadcast_in_dim3A_441 : i32 to vector<16xi32>
      %gt3A_443 = arith.cmpf ogt, %get3A_440, %select_n3A_434 : vector<16xf32>
      %gt3A_444 = arith.cmpf ogt, %get3A_440, %select_n3A_431 : vector<16xf32>
      %select_n3A_445 = arith.select %gt3A_444, %get3A_440, %select_n3A_431 : vector<16xi1>, vector<16xf32>
      %select_n3A_446 = arith.select %gt3A_443, %select_n3A_434, %select_n3A_445 : vector<16xi1>, vector<16xf32>
      %select_n3A_447 = arith.select %gt3A_444, %broadcast_in_dim3A_442, %select_n3A_433 : vector<16xi1>, vector<16xi32>
      %select_n3A_448 = arith.select %gt3A_443, %select_n3A_435, %select_n3A_447 : vector<16xi1>, vector<16xi32>
      %select_n3A_449 = arith.select %gt3A_443, %get3A_440, %select_n3A_434 : vector<16xi1>, vector<16xf32>
      %select_n3A_450 = arith.select %gt3A_443, %broadcast_in_dim3A_442, %select_n3A_435 : vector<16xi1>, vector<16xi32>
      %get3A_451 = arith.constant 30 : i32
      %get3A_452 = arith.index_cast %get3A_451 : i32 to index
      %get3A_453 = arith.index_cast %mul3A_13 : i32 to index
      %get3A_454 = tpu.vector_load %arg5[%get3A_452, %get3A_453] {strides = array<i32>} : memref<64x1024xf32, #tpu.memory_space<vmem>>, vector<1x16xf32>,
      %get3A_455 = vector.shape_cast %get3A_454 : vector<1x16xf32> to vector<16xf32>
      %broadcast_in_dim3A_456 = arith.constant 30 : i32
      %broadcast_in_dim3A_457 = vector.broadcast %broadcast_in_dim3A_456 : i32 to vector<16xi32>
      %gt3A_458 = arith.cmpf ogt, %get3A_455, %select_n3A_449 : vector<16xf32>
      %gt3A_459 = arith.cmpf ogt, %get3A_455, %select_n3A_446 : vector<16xf32>
      %select_n3A_460 = arith.select %gt3A_459, %get3A_455, %select_n3A_446 : vector<16xi1>, vector<16xf32>
      %select_n3A_461 = arith.select %gt3A_458, %select_n3A_449, %select_n3A_460 : vector<16xi1>, vector<16xf32>
      %select_n3A_462 = arith.select %gt3A_459, %broadcast_in_dim3A_457, %select_n3A_448 : vector<16xi1>, vector<16xi32>
      %select_n3A_463 = arith.select %gt3A_458, %select_n3A_450, %select_n3A_462 : vector<16xi1>, vector<16xi32>
      %select_n3A_464 = arith.select %gt3A_458, %get3A_455, %select_n3A_449 : vector<16xi1>, vector<16xf32>
      %select_n3A_465 = arith.select %gt3A_458, %broadcast_in_dim3A_457, %select_n3A_450 : vector<16xi1>, vector<16xi32>
      %get3A_466 = arith.constant 31 : i32
      %get3A_467 = arith.index_cast %get3A_466 : i32 to index
      %get3A_468 = arith.index_cast %mul3A_13 : i32 to index
      %get3A_469 = tpu.vector_load %arg5[%get3A_467, %get3A_468] {strides = array<i32>} : memref<64x1024xf32, #tpu.memory_space<vmem>>, vector<1x16xf32>,
      %get3A_470 = vector.shape_cast %get3A_469 : vector<1x16xf32> to vector<16xf32>
      %broadcast_in_dim3A_471 = arith.constant 31 : i32
      %broadcast_in_dim3A_472 = vector.broadcast %broadcast_in_dim3A_471 : i32 to vector<16xi32>
      %gt3A_473 = arith.cmpf ogt, %get3A_470, %select_n3A_464 : vector<16xf32>
      %gt3A_474 = arith.cmpf ogt, %get3A_470, %select_n3A_461 : vector<16xf32>
      %select_n3A_475 = arith.select %gt3A_474, %get3A_470, %select_n3A_461 : vector<16xi1>, vector<16xf32>
      %select_n3A_476 = arith.select %gt3A_473, %select_n3A_464, %select_n3A_475 : vector<16xi1>, vector<16xf32>
      %select_n3A_477 = arith.select %gt3A_474, %broadcast_in_dim3A_472, %select_n3A_463 : vector<16xi1>, vector<16xi32>
      %select_n3A_478 = arith.select %gt3A_473, %select_n3A_465, %select_n3A_477 : vector<16xi1>, vector<16xi32>
      %select_n3A_479 = arith.select %gt3A_473, %get3A_470, %select_n3A_464 : vector<16xi1>, vector<16xf32>
      %select_n3A_480 = arith.select %gt3A_473, %broadcast_in_dim3A_472, %select_n3A_465 : vector<16xi1>, vector<16xi32>
      %get3A_481 = arith.constant 32 : i32
      %get3A_482 = arith.index_cast %get3A_481 : i32 to index
      %get3A_483 = arith.index_cast %mul3A_13 : i32 to index
      %get3A_484 = tpu.vector_load %arg5[%get3A_482, %get3A_483] {strides = array<i32>} : memref<64x1024xf32, #tpu.memory_space<vmem>>, vector<1x16xf32>,
      %get3A_485 = vector.shape_cast %get3A_484 : vector<1x16xf32> to vector<16xf32>
      %broadcast_in_dim3A_486 = arith.constant 32 : i32
      %broadcast_in_dim3A_487 = vector.broadcast %broadcast_in_dim3A_486 : i32 to vector<16xi32>
      %gt3A_488 = arith.cmpf ogt, %get3A_485, %select_n3A_479 : vector<16xf32>
      %gt3A_489 = arith.cmpf ogt, %get3A_485, %select_n3A_476 : vector<16xf32>
      %select_n3A_490 = arith.select %gt3A_489, %get3A_485, %select_n3A_476 : vector<16xi1>, vector<16xf32>
      %select_n3A_491 = arith.select %gt3A_488, %select_n3A_479, %select_n3A_490 : vector<16xi1>, vector<16xf32>
      %select_n3A_492 = arith.select %gt3A_489, %broadcast_in_dim3A_487, %select_n3A_478 : vector<16xi1>, vector<16xi32>
      %select_n3A_493 = arith.select %gt3A_488, %select_n3A_480, %select_n3A_492 : vector<16xi1>, vector<16xi32>
      %select_n3A_494 = arith.select %gt3A_488, %get3A_485, %select_n3A_479 : vector<16xi1>, vector<16xf32>
      %select_n3A_495 = arith.select %gt3A_488, %broadcast_in_dim3A_487, %select_n3A_480 : vector<16xi1>, vector<16xi32>
      %get3A_496 = arith.constant 33 : i32
      %get3A_497 = arith.index_cast %get3A_496 : i32 to index
      %get3A_498 = arith.index_cast %mul3A_13 : i32 to index
      %get3A_499 = tpu.vector_load %arg5[%get3A_497, %get3A_498] {strides = array<i32>} : memref<64x1024xf32, #tpu.memory_space<vmem>>, vector<1x16xf32>,
      %get3A_500 = vector.shape_cast %get3A_499 : vector<1x16xf32> to vector<16xf32>
      %broadcast_in_dim3A_501 = arith.constant 33 : i32
      %broadcast_in_dim3A_502 = vector.broadcast %broadcast_in_dim3A_501 : i32 to vector<16xi32>
      %gt3A_503 = arith.cmpf ogt, %get3A_500, %select_n3A_494 : vector<16xf32>
      %gt3A_504 = arith.cmpf ogt, %get3A_500, %select_n3A_491 : vector<16xf32>
      %select_n3A_505 = arith.select %gt3A_504, %get3A_500, %select_n3A_491 : vector<16xi1>, vector<16xf32>
      %select_n3A_506 = arith.select %gt3A_503, %select_n3A_494, %select_n3A_505 : vector<16xi1>, vector<16xf32>
      %select_n3A_507 = arith.select %gt3A_504, %broadcast_in_dim3A_502, %select_n3A_493 : vector<16xi1>, vector<16xi32>
      %select_n3A_508 = arith.select %gt3A_503, %select_n3A_495, %select_n3A_507 : vector<16xi1>, vector<16xi32>
      %select_n3A_509 = arith.select %gt3A_503, %get3A_500, %select_n3A_494 : vector<16xi1>, vector<16xf32>
      %select_n3A_510 = arith.select %gt3A_503, %broadcast_in_dim3A_502, %select_n3A_495 : vector<16xi1>, vector<16xi32>
      %get3A_511 = arith.constant 34 : i32
      %get3A_512 = arith.index_cast %get3A_511 : i32 to index
      %get3A_513 = arith.index_cast %mul3A_13 : i32 to index
      %get3A_514 = tpu.vector_load %arg5[%get3A_512, %get3A_513] {strides = array<i32>} : memref<64x1024xf32, #tpu.memory_space<vmem>>, vector<1x16xf32>,
      %get3A_515 = vector.shape_cast %get3A_514 : vector<1x16xf32> to vector<16xf32>
      %broadcast_in_dim3A_516 = arith.constant 34 : i32
      %broadcast_in_dim3A_517 = vector.broadcast %broadcast_in_dim3A_516 : i32 to vector<16xi32>
      %gt3A_518 = arith.cmpf ogt, %get3A_515, %select_n3A_509 : vector<16xf32>
      %gt3A_519 = arith.cmpf ogt, %get3A_515, %select_n3A_506 : vector<16xf32>
      %select_n3A_520 = arith.select %gt3A_519, %get3A_515, %select_n3A_506 : vector<16xi1>, vector<16xf32>
      %select_n3A_521 = arith.select %gt3A_518, %select_n3A_509, %select_n3A_520 : vector<16xi1>, vector<16xf32>
      %select_n3A_522 = arith.select %gt3A_519, %broadcast_in_dim3A_517, %select_n3A_508 : vector<16xi1>, vector<16xi32>
      %select_n3A_523 = arith.select %gt3A_518, %select_n3A_510, %select_n3A_522 : vector<16xi1>, vector<16xi32>
      %select_n3A_524 = arith.select %gt3A_518, %get3A_515, %select_n3A_509 : vector<16xi1>, vector<16xf32>
      %select_n3A_525 = arith.select %gt3A_518, %broadcast_in_dim3A_517, %select_n3A_510 : vector<16xi1>, vector<16xi32>
      %get3A_526 = arith.constant 35 : i32
      %get3A_527 = arith.index_cast %get3A_526 : i32 to index
      %get3A_528 = arith.index_cast %mul3A_13 : i32 to index
      %get3A_529 = tpu.vector_load %arg5[%get3A_527, %get3A_528] {strides = array<i32>} : memref<64x1024xf32, #tpu.memory_space<vmem>>, vector<1x16xf32>,
      %get3A_530 = vector.shape_cast %get3A_529 : vector<1x16xf32> to vector<16xf32>
      %broadcast_in_dim3A_531 = arith.constant 35 : i32
      %broadcast_in_dim3A_532 = vector.broadcast %broadcast_in_dim3A_531 : i32 to vector<16xi32>
      %gt3A_533 = arith.cmpf ogt, %get3A_530, %select_n3A_524 : vector<16xf32>
      %gt3A_534 = arith.cmpf ogt, %get3A_530, %select_n3A_521 : vector<16xf32>
      %select_n3A_535 = arith.select %gt3A_534, %get3A_530, %select_n3A_521 : vector<16xi1>, vector<16xf32>
      %select_n3A_536 = arith.select %gt3A_533, %select_n3A_524, %select_n3A_535 : vector<16xi1>, vector<16xf32>
      %select_n3A_537 = arith.select %gt3A_534, %broadcast_in_dim3A_532, %select_n3A_523 : vector<16xi1>, vector<16xi32>
      %select_n3A_538 = arith.select %gt3A_533, %select_n3A_525, %select_n3A_537 : vector<16xi1>, vector<16xi32>
      %select_n3A_539 = arith.select %gt3A_533, %get3A_530, %select_n3A_524 : vector<16xi1>, vector<16xf32>
      %select_n3A_540 = arith.select %gt3A_533, %broadcast_in_dim3A_532, %select_n3A_525 : vector<16xi1>, vector<16xi32>
      %get3A_541 = arith.constant 36 : i32
      %get3A_542 = arith.index_cast %get3A_541 : i32 to index
      %get3A_543 = arith.index_cast %mul3A_13 : i32 to index
      %get3A_544 = tpu.vector_load %arg5[%get3A_542, %get3A_543] {strides = array<i32>} : memref<64x1024xf32, #tpu.memory_space<vmem>>, vector<1x16xf32>,
      %get3A_545 = vector.shape_cast %get3A_544 : vector<1x16xf32> to vector<16xf32>
      %broadcast_in_dim3A_546 = arith.constant 36 : i32
      %broadcast_in_dim3A_547 = vector.broadcast %broadcast_in_dim3A_546 : i32 to vector<16xi32>
      %gt3A_548 = arith.cmpf ogt, %get3A_545, %select_n3A_539 : vector<16xf32>
      %gt3A_549 = arith.cmpf ogt, %get3A_545, %select_n3A_536 : vector<16xf32>
      %select_n3A_550 = arith.select %gt3A_549, %get3A_545, %select_n3A_536 : vector<16xi1>, vector<16xf32>
      %select_n3A_551 = arith.select %gt3A_548, %select_n3A_539, %select_n3A_550 : vector<16xi1>, vector<16xf32>
      %select_n3A_552 = arith.select %gt3A_549, %broadcast_in_dim3A_547, %select_n3A_538 : vector<16xi1>, vector<16xi32>
      %select_n3A_553 = arith.select %gt3A_548, %select_n3A_540, %select_n3A_552 : vector<16xi1>, vector<16xi32>
      %select_n3A_554 = arith.select %gt3A_548, %get3A_545, %select_n3A_539 : vector<16xi1>, vector<16xf32>
      %select_n3A_555 = arith.select %gt3A_548, %broadcast_in_dim3A_547, %select_n3A_540 : vector<16xi1>, vector<16xi32>
      %get3A_556 = arith.constant 37 : i32
      %get3A_557 = arith.index_cast %get3A_556 : i32 to index
      %get3A_558 = arith.index_cast %mul3A_13 : i32 to index
      %get3A_559 = tpu.vector_load %arg5[%get3A_557, %get3A_558] {strides = array<i32>} : memref<64x1024xf32, #tpu.memory_space<vmem>>, vector<1x16xf32>,
      %get3A_560 = vector.shape_cast %get3A_559 : vector<1x16xf32> to vector<16xf32>
      %broadcast_in_dim3A_561 = arith.constant 37 : i32
      %broadcast_in_dim3A_562 = vector.broadcast %broadcast_in_dim3A_561 : i32 to vector<16xi32>
      %gt3A_563 = arith.cmpf ogt, %get3A_560, %select_n3A_554 : vector<16xf32>
      %gt3A_564 = arith.cmpf ogt, %get3A_560, %select_n3A_551 : vector<16xf32>
      %select_n3A_565 = arith.select %gt3A_564, %get3A_560, %select_n3A_551 : vector<16xi1>, vector<16xf32>
      %select_n3A_566 = arith.select %gt3A_563, %select_n3A_554, %select_n3A_565 : vector<16xi1>, vector<16xf32>
      %select_n3A_567 = arith.select %gt3A_564, %broadcast_in_dim3A_562, %select_n3A_553 : vector<16xi1>, vector<16xi32>
      %select_n3A_568 = arith.select %gt3A_563, %select_n3A_555, %select_n3A_567 : vector<16xi1>, vector<16xi32>
      %select_n3A_569 = arith.select %gt3A_563, %get3A_560, %select_n3A_554 : vector<16xi1>, vector<16xf32>
      %select_n3A_570 = arith.select %gt3A_563, %broadcast_in_dim3A_562, %select_n3A_555 : vector<16xi1>, vector<16xi32>
      %get3A_571 = arith.constant 38 : i32
      %get3A_572 = arith.index_cast %get3A_571 : i32 to index
      %get3A_573 = arith.index_cast %mul3A_13 : i32 to index
      %get3A_574 = tpu.vector_load %arg5[%get3A_572, %get3A_573] {strides = array<i32>} : memref<64x1024xf32, #tpu.memory_space<vmem>>, vector<1x16xf32>,
      %get3A_575 = vector.shape_cast %get3A_574 : vector<1x16xf32> to vector<16xf32>
      %broadcast_in_dim3A_576 = arith.constant 38 : i32
      %broadcast_in_dim3A_577 = vector.broadcast %broadcast_in_dim3A_576 : i32 to vector<16xi32>
      %gt3A_578 = arith.cmpf ogt, %get3A_575, %select_n3A_569 : vector<16xf32>
      %gt3A_579 = arith.cmpf ogt, %get3A_575, %select_n3A_566 : vector<16xf32>
      %select_n3A_580 = arith.select %gt3A_579, %get3A_575, %select_n3A_566 : vector<16xi1>, vector<16xf32>
      %select_n3A_581 = arith.select %gt3A_578, %select_n3A_569, %select_n3A_580 : vector<16xi1>, vector<16xf32>
      %select_n3A_582 = arith.select %gt3A_579, %broadcast_in_dim3A_577, %select_n3A_568 : vector<16xi1>, vector<16xi32>
      %select_n3A_583 = arith.select %gt3A_578, %select_n3A_570, %select_n3A_582 : vector<16xi1>, vector<16xi32>
      %select_n3A_584 = arith.select %gt3A_578, %get3A_575, %select_n3A_569 : vector<16xi1>, vector<16xf32>
      %select_n3A_585 = arith.select %gt3A_578, %broadcast_in_dim3A_577, %select_n3A_570 : vector<16xi1>, vector<16xi32>
      %get3A_586 = arith.constant 39 : i32
      %get3A_587 = arith.index_cast %get3A_586 : i32 to index
      %get3A_588 = arith.index_cast %mul3A_13 : i32 to index
      %get3A_589 = tpu.vector_load %arg5[%get3A_587, %get3A_588] {strides = array<i32>} : memref<64x1024xf32, #tpu.memory_space<vmem>>, vector<1x16xf32>,
      %get3A_590 = vector.shape_cast %get3A_589 : vector<1x16xf32> to vector<16xf32>
      %broadcast_in_dim3A_591 = arith.constant 39 : i32
      %broadcast_in_dim3A_592 = vector.broadcast %broadcast_in_dim3A_591 : i32 to vector<16xi32>
      %gt3A_593 = arith.cmpf ogt, %get3A_590, %select_n3A_584 : vector<16xf32>
      %gt3A_594 = arith.cmpf ogt, %get3A_590, %select_n3A_581 : vector<16xf32>
      %select_n3A_595 = arith.select %gt3A_594, %get3A_590, %select_n3A_581 : vector<16xi1>, vector<16xf32>
      %select_n3A_596 = arith.select %gt3A_593, %select_n3A_584, %select_n3A_595 : vector<16xi1>, vector<16xf32>
      %select_n3A_597 = arith.select %gt3A_594, %broadcast_in_dim3A_592, %select_n3A_583 : vector<16xi1>, vector<16xi32>
      %select_n3A_598 = arith.select %gt3A_593, %select_n3A_585, %select_n3A_597 : vector<16xi1>, vector<16xi32>
      %select_n3A_599 = arith.select %gt3A_593, %get3A_590, %select_n3A_584 : vector<16xi1>, vector<16xf32>
      %select_n3A_600 = arith.select %gt3A_593, %broadcast_in_dim3A_592, %select_n3A_585 : vector<16xi1>, vector<16xi32>
      %get3A_601 = arith.constant 40 : i32
      %get3A_602 = arith.index_cast %get3A_601 : i32 to index
      %get3A_603 = arith.index_cast %mul3A_13 : i32 to index
      %get3A_604 = tpu.vector_load %arg5[%get3A_602, %get3A_603] {strides = array<i32>} : memref<64x1024xf32, #tpu.memory_space<vmem>>, vector<1x16xf32>,
      %get3A_605 = vector.shape_cast %get3A_604 : vector<1x16xf32> to vector<16xf32>
      %broadcast_in_dim3A_606 = arith.constant 40 : i32
      %broadcast_in_dim3A_607 = vector.broadcast %broadcast_in_dim3A_606 : i32 to vector<16xi32>
      %gt3A_608 = arith.cmpf ogt, %get3A_605, %select_n3A_599 : vector<16xf32>
      %gt3A_609 = arith.cmpf ogt, %get3A_605, %select_n3A_596 : vector<16xf32>
      %select_n3A_610 = arith.select %gt3A_609, %get3A_605, %select_n3A_596 : vector<16xi1>, vector<16xf32>
      %select_n3A_611 = arith.select %gt3A_608, %select_n3A_599, %select_n3A_610 : vector<16xi1>, vector<16xf32>
      %select_n3A_612 = arith.select %gt3A_609, %broadcast_in_dim3A_607, %select_n3A_598 : vector<16xi1>, vector<16xi32>
      %select_n3A_613 = arith.select %gt3A_608, %select_n3A_600, %select_n3A_612 : vector<16xi1>, vector<16xi32>
      %select_n3A_614 = arith.select %gt3A_608, %get3A_605, %select_n3A_599 : vector<16xi1>, vector<16xf32>
      %select_n3A_615 = arith.select %gt3A_608, %broadcast_in_dim3A_607, %select_n3A_600 : vector<16xi1>, vector<16xi32>
      %get3A_616 = arith.constant 41 : i32
      %get3A_617 = arith.index_cast %get3A_616 : i32 to index
      %get3A_618 = arith.index_cast %mul3A_13 : i32 to index
      %get3A_619 = tpu.vector_load %arg5[%get3A_617, %get3A_618] {strides = array<i32>} : memref<64x1024xf32, #tpu.memory_space<vmem>>, vector<1x16xf32>,
      %get3A_620 = vector.shape_cast %get3A_619 : vector<1x16xf32> to vector<16xf32>
      %broadcast_in_dim3A_621 = arith.constant 41 : i32
      %broadcast_in_dim3A_622 = vector.broadcast %broadcast_in_dim3A_621 : i32 to vector<16xi32>
      %gt3A_623 = arith.cmpf ogt, %get3A_620, %select_n3A_614 : vector<16xf32>
      %gt3A_624 = arith.cmpf ogt, %get3A_620, %select_n3A_611 : vector<16xf32>
      %select_n3A_625 = arith.select %gt3A_624, %get3A_620, %select_n3A_611 : vector<16xi1>, vector<16xf32>
      %select_n3A_626 = arith.select %gt3A_623, %select_n3A_614, %select_n3A_625 : vector<16xi1>, vector<16xf32>
      %select_n3A_627 = arith.select %gt3A_624, %broadcast_in_dim3A_622, %select_n3A_613 : vector<16xi1>, vector<16xi32>
      %select_n3A_628 = arith.select %gt3A_623, %select_n3A_615, %select_n3A_627 : vector<16xi1>, vector<16xi32>
      %select_n3A_629 = arith.select %gt3A_623, %get3A_620, %select_n3A_614 : vector<16xi1>, vector<16xf32>
      %select_n3A_630 = arith.select %gt3A_623, %broadcast_in_dim3A_622, %select_n3A_615 : vector<16xi1>, vector<16xi32>
      %get3A_631 = arith.constant 42 : i32
      %get3A_632 = arith.index_cast %get3A_631 : i32 to index
      %get3A_633 = arith.index_cast %mul3A_13 : i32 to index
      %get3A_634 = tpu.vector_load %arg5[%get3A_632, %get3A_633] {strides = array<i32>} : memref<64x1024xf32, #tpu.memory_space<vmem>>, vector<1x16xf32>,
      %get3A_635 = vector.shape_cast %get3A_634 : vector<1x16xf32> to vector<16xf32>
      %broadcast_in_dim3A_636 = arith.constant 42 : i32
      %broadcast_in_dim3A_637 = vector.broadcast %broadcast_in_dim3A_636 : i32 to vector<16xi32>
      %gt3A_638 = arith.cmpf ogt, %get3A_635, %select_n3A_629 : vector<16xf32>
      %gt3A_639 = arith.cmpf ogt, %get3A_635, %select_n3A_626 : vector<16xf32>
      %select_n3A_640 = arith.select %gt3A_639, %get3A_635, %select_n3A_626 : vector<16xi1>, vector<16xf32>
      %select_n3A_641 = arith.select %gt3A_638, %select_n3A_629, %select_n3A_640 : vector<16xi1>, vector<16xf32>
      %select_n3A_642 = arith.select %gt3A_639, %broadcast_in_dim3A_637, %select_n3A_628 : vector<16xi1>, vector<16xi32>
      %select_n3A_643 = arith.select %gt3A_638, %select_n3A_630, %select_n3A_642 : vector<16xi1>, vector<16xi32>
      %select_n3A_644 = arith.select %gt3A_638, %get3A_635, %select_n3A_629 : vector<16xi1>, vector<16xf32>
      %select_n3A_645 = arith.select %gt3A_638, %broadcast_in_dim3A_637, %select_n3A_630 : vector<16xi1>, vector<16xi32>
      %get3A_646 = arith.constant 43 : i32
      %get3A_647 = arith.index_cast %get3A_646 : i32 to index
      %get3A_648 = arith.index_cast %mul3A_13 : i32 to index
      %get3A_649 = tpu.vector_load %arg5[%get3A_647, %get3A_648] {strides = array<i32>} : memref<64x1024xf32, #tpu.memory_space<vmem>>, vector<1x16xf32>,
      %get3A_650 = vector.shape_cast %get3A_649 : vector<1x16xf32> to vector<16xf32>
      %broadcast_in_dim3A_651 = arith.constant 43 : i32
      %broadcast_in_dim3A_652 = vector.broadcast %broadcast_in_dim3A_651 : i32 to vector<16xi32>
      %gt3A_653 = arith.cmpf ogt, %get3A_650, %select_n3A_644 : vector<16xf32>
      %gt3A_654 = arith.cmpf ogt, %get3A_650, %select_n3A_641 : vector<16xf32>
      %select_n3A_655 = arith.select %gt3A_654, %get3A_650, %select_n3A_641 : vector<16xi1>, vector<16xf32>
      %select_n3A_656 = arith.select %gt3A_653, %select_n3A_644, %select_n3A_655 : vector<16xi1>, vector<16xf32>
      %select_n3A_657 = arith.select %gt3A_654, %broadcast_in_dim3A_652, %select_n3A_643 : vector<16xi1>, vector<16xi32>
      %select_n3A_658 = arith.select %gt3A_653, %select_n3A_645, %select_n3A_657 : vector<16xi1>, vector<16xi32>
      %select_n3A_659 = arith.select %gt3A_653, %get3A_650, %select_n3A_644 : vector<16xi1>, vector<16xf32>
      %select_n3A_660 = arith.select %gt3A_653, %broadcast_in_dim3A_652, %select_n3A_645 : vector<16xi1>, vector<16xi32>
      %get3A_661 = arith.constant 44 : i32
      %get3A_662 = arith.index_cast %get3A_661 : i32 to index
      %get3A_663 = arith.index_cast %mul3A_13 : i32 to index
      %get3A_664 = tpu.vector_load %arg5[%get3A_662, %get3A_663] {strides = array<i32>} : memref<64x1024xf32, #tpu.memory_space<vmem>>, vector<1x16xf32>,
      %get3A_665 = vector.shape_cast %get3A_664 : vector<1x16xf32> to vector<16xf32>
      %broadcast_in_dim3A_666 = arith.constant 44 : i32
      %broadcast_in_dim3A_667 = vector.broadcast %broadcast_in_dim3A_666 : i32 to vector<16xi32>
      %gt3A_668 = arith.cmpf ogt, %get3A_665, %select_n3A_659 : vector<16xf32>
      %gt3A_669 = arith.cmpf ogt, %get3A_665, %select_n3A_656 : vector<16xf32>
      %select_n3A_670 = arith.select %gt3A_669, %get3A_665, %select_n3A_656 : vector<16xi1>, vector<16xf32>
      %select_n3A_671 = arith.select %gt3A_668, %select_n3A_659, %select_n3A_670 : vector<16xi1>, vector<16xf32>
      %select_n3A_672 = arith.select %gt3A_669, %broadcast_in_dim3A_667, %select_n3A_658 : vector<16xi1>, vector<16xi32>
      %select_n3A_673 = arith.select %gt3A_668, %select_n3A_660, %select_n3A_672 : vector<16xi1>, vector<16xi32>
      %select_n3A_674 = arith.select %gt3A_668, %get3A_665, %select_n3A_659 : vector<16xi1>, vector<16xf32>
      %select_n3A_675 = arith.select %gt3A_668, %broadcast_in_dim3A_667, %select_n3A_660 : vector<16xi1>, vector<16xi32>
      %get3A_676 = arith.constant 45 : i32
      %get3A_677 = arith.index_cast %get3A_676 : i32 to index
      %get3A_678 = arith.index_cast %mul3A_13 : i32 to index
      %get3A_679 = tpu.vector_load %arg5[%get3A_677, %get3A_678] {strides = array<i32>} : memref<64x1024xf32, #tpu.memory_space<vmem>>, vector<1x16xf32>,
      %get3A_680 = vector.shape_cast %get3A_679 : vector<1x16xf32> to vector<16xf32>
      %broadcast_in_dim3A_681 = arith.constant 45 : i32
      %broadcast_in_dim3A_682 = vector.broadcast %broadcast_in_dim3A_681 : i32 to vector<16xi32>
      %gt3A_683 = arith.cmpf ogt, %get3A_680, %select_n3A_674 : vector<16xf32>
      %gt3A_684 = arith.cmpf ogt, %get3A_680, %select_n3A_671 : vector<16xf32>
      %select_n3A_685 = arith.select %gt3A_684, %get3A_680, %select_n3A_671 : vector<16xi1>, vector<16xf32>
      %select_n3A_686 = arith.select %gt3A_683, %select_n3A_674, %select_n3A_685 : vector<16xi1>, vector<16xf32>
      %select_n3A_687 = arith.select %gt3A_684, %broadcast_in_dim3A_682, %select_n3A_673 : vector<16xi1>, vector<16xi32>
      %select_n3A_688 = arith.select %gt3A_683, %select_n3A_675, %select_n3A_687 : vector<16xi1>, vector<16xi32>
      %select_n3A_689 = arith.select %gt3A_683, %get3A_680, %select_n3A_674 : vector<16xi1>, vector<16xf32>
      %select_n3A_690 = arith.select %gt3A_683, %broadcast_in_dim3A_682, %select_n3A_675 : vector<16xi1>, vector<16xi32>
      %get3A_691 = arith.constant 46 : i32
      %get3A_692 = arith.index_cast %get3A_691 : i32 to index
      %get3A_693 = arith.index_cast %mul3A_13 : i32 to index
      %get3A_694 = tpu.vector_load %arg5[%get3A_692, %get3A_693] {strides = array<i32>} : memref<64x1024xf32, #tpu.memory_space<vmem>>, vector<1x16xf32>,
      %get3A_695 = vector.shape_cast %get3A_694 : vector<1x16xf32> to vector<16xf32>
      %broadcast_in_dim3A_696 = arith.constant 46 : i32
      %broadcast_in_dim3A_697 = vector.broadcast %broadcast_in_dim3A_696 : i32 to vector<16xi32>
      %gt3A_698 = arith.cmpf ogt, %get3A_695, %select_n3A_689 : vector<16xf32>
      %gt3A_699 = arith.cmpf ogt, %get3A_695, %select_n3A_686 : vector<16xf32>
      %select_n3A_700 = arith.select %gt3A_699, %get3A_695, %select_n3A_686 : vector<16xi1>, vector<16xf32>
      %select_n3A_701 = arith.select %gt3A_698, %select_n3A_689, %select_n3A_700 : vector<16xi1>, vector<16xf32>
      %select_n3A_702 = arith.select %gt3A_699, %broadcast_in_dim3A_697, %select_n3A_688 : vector<16xi1>, vector<16xi32>
      %select_n3A_703 = arith.select %gt3A_698, %select_n3A_690, %select_n3A_702 : vector<16xi1>, vector<16xi32>
      %select_n3A_704 = arith.select %gt3A_698, %get3A_695, %select_n3A_689 : vector<16xi1>, vector<16xf32>
      %select_n3A_705 = arith.select %gt3A_698, %broadcast_in_dim3A_697, %select_n3A_690 : vector<16xi1>, vector<16xi32>
      %get3A_706 = arith.constant 47 : i32
      %get3A_707 = arith.index_cast %get3A_706 : i32 to index
      %get3A_708 = arith.index_cast %mul3A_13 : i32 to index
      %get3A_709 = tpu.vector_load %arg5[%get3A_707, %get3A_708] {strides = array<i32>} : memref<64x1024xf32, #tpu.memory_space<vmem>>, vector<1x16xf32>,
      %get3A_710 = vector.shape_cast %get3A_709 : vector<1x16xf32> to vector<16xf32>
      %broadcast_in_dim3A_711 = arith.constant 47 : i32
      %broadcast_in_dim3A_712 = vector.broadcast %broadcast_in_dim3A_711 : i32 to vector<16xi32>
      %gt3A_713 = arith.cmpf ogt, %get3A_710, %select_n3A_704 : vector<16xf32>
      %gt3A_714 = arith.cmpf ogt, %get3A_710, %select_n3A_701 : vector<16xf32>
      %select_n3A_715 = arith.select %gt3A_714, %get3A_710, %select_n3A_701 : vector<16xi1>, vector<16xf32>
      %select_n3A_716 = arith.select %gt3A_713, %select_n3A_704, %select_n3A_715 : vector<16xi1>, vector<16xf32>
      %select_n3A_717 = arith.select %gt3A_714, %broadcast_in_dim3A_712, %select_n3A_703 : vector<16xi1>, vector<16xi32>
      %select_n3A_718 = arith.select %gt3A_713, %select_n3A_705, %select_n3A_717 : vector<16xi1>, vector<16xi32>
      %select_n3A_719 = arith.select %gt3A_713, %get3A_710, %select_n3A_704 : vector<16xi1>, vector<16xf32>
      %select_n3A_720 = arith.select %gt3A_713, %broadcast_in_dim3A_712, %select_n3A_705 : vector<16xi1>, vector<16xi32>
      %get3A_721 = arith.constant 48 : i32
      %get3A_722 = arith.index_cast %get3A_721 : i32 to index
      %get3A_723 = arith.index_cast %mul3A_13 : i32 to index
      %get3A_724 = tpu.vector_load %arg5[%get3A_722, %get3A_723] {strides = array<i32>} : memref<64x1024xf32, #tpu.memory_space<vmem>>, vector<1x16xf32>,
      %get3A_725 = vector.shape_cast %get3A_724 : vector<1x16xf32> to vector<16xf32>
      %broadcast_in_dim3A_726 = arith.constant 48 : i32
      %broadcast_in_dim3A_727 = vector.broadcast %broadcast_in_dim3A_726 : i32 to vector<16xi32>
      %gt3A_728 = arith.cmpf ogt, %get3A_725, %select_n3A_719 : vector<16xf32>
      %gt3A_729 = arith.cmpf ogt, %get3A_725, %select_n3A_716 : vector<16xf32>
      %select_n3A_730 = arith.select %gt3A_729, %get3A_725, %select_n3A_716 : vector<16xi1>, vector<16xf32>
      %select_n3A_731 = arith.select %gt3A_728, %select_n3A_719, %select_n3A_730 : vector<16xi1>, vector<16xf32>
      %select_n3A_732 = arith.select %gt3A_729, %broadcast_in_dim3A_727, %select_n3A_718 : vector<16xi1>, vector<16xi32>
      %select_n3A_733 = arith.select %gt3A_728, %select_n3A_720, %select_n3A_732 : vector<16xi1>, vector<16xi32>
      %select_n3A_734 = arith.select %gt3A_728, %get3A_725, %select_n3A_719 : vector<16xi1>, vector<16xf32>
      %select_n3A_735 = arith.select %gt3A_728, %broadcast_in_dim3A_727, %select_n3A_720 : vector<16xi1>, vector<16xi32>
      %get3A_736 = arith.constant 49 : i32
      %get3A_737 = arith.index_cast %get3A_736 : i32 to index
      %get3A_738 = arith.index_cast %mul3A_13 : i32 to index
      %get3A_739 = tpu.vector_load %arg5[%get3A_737, %get3A_738] {strides = array<i32>} : memref<64x1024xf32, #tpu.memory_space<vmem>>, vector<1x16xf32>,
      %get3A_740 = vector.shape_cast %get3A_739 : vector<1x16xf32> to vector<16xf32>
      %broadcast_in_dim3A_741 = arith.constant 49 : i32
      %broadcast_in_dim3A_742 = vector.broadcast %broadcast_in_dim3A_741 : i32 to vector<16xi32>
      %gt3A_743 = arith.cmpf ogt, %get3A_740, %select_n3A_734 : vector<16xf32>
      %gt3A_744 = arith.cmpf ogt, %get3A_740, %select_n3A_731 : vector<16xf32>
      %select_n3A_745 = arith.select %gt3A_744, %get3A_740, %select_n3A_731 : vector<16xi1>, vector<16xf32>
      %select_n3A_746 = arith.select %gt3A_743, %select_n3A_734, %select_n3A_745 : vector<16xi1>, vector<16xf32>
      %select_n3A_747 = arith.select %gt3A_744, %broadcast_in_dim3A_742, %select_n3A_733 : vector<16xi1>, vector<16xi32>
      %select_n3A_748 = arith.select %gt3A_743, %select_n3A_735, %select_n3A_747 : vector<16xi1>, vector<16xi32>
      %select_n3A_749 = arith.select %gt3A_743, %get3A_740, %select_n3A_734 : vector<16xi1>, vector<16xf32>
      %select_n3A_750 = arith.select %gt3A_743, %broadcast_in_dim3A_742, %select_n3A_735 : vector<16xi1>, vector<16xi32>
      %get3A_751 = arith.constant 50 : i32
      %get3A_752 = arith.index_cast %get3A_751 : i32 to index
      %get3A_753 = arith.index_cast %mul3A_13 : i32 to index
      %get3A_754 = tpu.vector_load %arg5[%get3A_752, %get3A_753] {strides = array<i32>} : memref<64x1024xf32, #tpu.memory_space<vmem>>, vector<1x16xf32>,
      %get3A_755 = vector.shape_cast %get3A_754 : vector<1x16xf32> to vector<16xf32>
      %broadcast_in_dim3A_756 = arith.constant 50 : i32
      %broadcast_in_dim3A_757 = vector.broadcast %broadcast_in_dim3A_756 : i32 to vector<16xi32>
      %gt3A_758 = arith.cmpf ogt, %get3A_755, %select_n3A_749 : vector<16xf32>
      %gt3A_759 = arith.cmpf ogt, %get3A_755, %select_n3A_746 : vector<16xf32>
      %select_n3A_760 = arith.select %gt3A_759, %get3A_755, %select_n3A_746 : vector<16xi1>, vector<16xf32>
      %select_n3A_761 = arith.select %gt3A_758, %select_n3A_749, %select_n3A_760 : vector<16xi1>, vector<16xf32>
      %select_n3A_762 = arith.select %gt3A_759, %broadcast_in_dim3A_757, %select_n3A_748 : vector<16xi1>, vector<16xi32>
      %select_n3A_763 = arith.select %gt3A_758, %select_n3A_750, %select_n3A_762 : vector<16xi1>, vector<16xi32>
      %select_n3A_764 = arith.select %gt3A_758, %get3A_755, %select_n3A_749 : vector<16xi1>, vector<16xf32>
      %select_n3A_765 = arith.select %gt3A_758, %broadcast_in_dim3A_757, %select_n3A_750 : vector<16xi1>, vector<16xi32>
      %get3A_766 = arith.constant 51 : i32
      %get3A_767 = arith.index_cast %get3A_766 : i32 to index
      %get3A_768 = arith.index_cast %mul3A_13 : i32 to index
      %get3A_769 = tpu.vector_load %arg5[%get3A_767, %get3A_768] {strides = array<i32>} : memref<64x1024xf32, #tpu.memory_space<vmem>>, vector<1x16xf32>,
      %get3A_770 = vector.shape_cast %get3A_769 : vector<1x16xf32> to vector<16xf32>
      %broadcast_in_dim3A_771 = arith.constant 51 : i32
      %broadcast_in_dim3A_772 = vector.broadcast %broadcast_in_dim3A_771 : i32 to vector<16xi32>
      %gt3A_773 = arith.cmpf ogt, %get3A_770, %select_n3A_764 : vector<16xf32>
      %gt3A_774 = arith.cmpf ogt, %get3A_770, %select_n3A_761 : vector<16xf32>
      %select_n3A_775 = arith.select %gt3A_774, %get3A_770, %select_n3A_761 : vector<16xi1>, vector<16xf32>
      %select_n3A_776 = arith.select %gt3A_773, %select_n3A_764, %select_n3A_775 : vector<16xi1>, vector<16xf32>
      %select_n3A_777 = arith.select %gt3A_774, %broadcast_in_dim3A_772, %select_n3A_763 : vector<16xi1>, vector<16xi32>
      %select_n3A_778 = arith.select %gt3A_773, %select_n3A_765, %select_n3A_777 : vector<16xi1>, vector<16xi32>
      %select_n3A_779 = arith.select %gt3A_773, %get3A_770, %select_n3A_764 : vector<16xi1>, vector<16xf32>
      %select_n3A_780 = arith.select %gt3A_773, %broadcast_in_dim3A_772, %select_n3A_765 : vector<16xi1>, vector<16xi32>
      %get3A_781 = arith.constant 52 : i32
      %get3A_782 = arith.index_cast %get3A_781 : i32 to index
      %get3A_783 = arith.index_cast %mul3A_13 : i32 to index
      %get3A_784 = tpu.vector_load %arg5[%get3A_782, %get3A_783] {strides = array<i32>} : memref<64x1024xf32, #tpu.memory_space<vmem>>, vector<1x16xf32>,
      %get3A_785 = vector.shape_cast %get3A_784 : vector<1x16xf32> to vector<16xf32>
      %broadcast_in_dim3A_786 = arith.constant 52 : i32
      %broadcast_in_dim3A_787 = vector.broadcast %broadcast_in_dim3A_786 : i32 to vector<16xi32>
      %gt3A_788 = arith.cmpf ogt, %get3A_785, %select_n3A_779 : vector<16xf32>
      %gt3A_789 = arith.cmpf ogt, %get3A_785, %select_n3A_776 : vector<16xf32>
      %select_n3A_790 = arith.select %gt3A_789, %get3A_785, %select_n3A_776 : vector<16xi1>, vector<16xf32>
      %select_n3A_791 = arith.select %gt3A_788, %select_n3A_779, %select_n3A_790 : vector<16xi1>, vector<16xf32>
      %select_n3A_792 = arith.select %gt3A_789, %broadcast_in_dim3A_787, %select_n3A_778 : vector<16xi1>, vector<16xi32>
      %select_n3A_793 = arith.select %gt3A_788, %select_n3A_780, %select_n3A_792 : vector<16xi1>, vector<16xi32>
      %select_n3A_794 = arith.select %gt3A_788, %get3A_785, %select_n3A_779 : vector<16xi1>, vector<16xf32>
      %select_n3A_795 = arith.select %gt3A_788, %broadcast_in_dim3A_787, %select_n3A_780 : vector<16xi1>, vector<16xi32>
      %get3A_796 = arith.constant 53 : i32
      %get3A_797 = arith.index_cast %get3A_796 : i32 to index
      %get3A_798 = arith.index_cast %mul3A_13 : i32 to index
      %get3A_799 = tpu.vector_load %arg5[%get3A_797, %get3A_798] {strides = array<i32>} : memref<64x1024xf32, #tpu.memory_space<vmem>>, vector<1x16xf32>,
      %get3A_800 = vector.shape_cast %get3A_799 : vector<1x16xf32> to vector<16xf32>
      %broadcast_in_dim3A_801 = arith.constant 53 : i32
      %broadcast_in_dim3A_802 = vector.broadcast %broadcast_in_dim3A_801 : i32 to vector<16xi32>
      %gt3A_803 = arith.cmpf ogt, %get3A_800, %select_n3A_794 : vector<16xf32>
      %gt3A_804 = arith.cmpf ogt, %get3A_800, %select_n3A_791 : vector<16xf32>
      %select_n3A_805 = arith.select %gt3A_804, %get3A_800, %select_n3A_791 : vector<16xi1>, vector<16xf32>
      %select_n3A_806 = arith.select %gt3A_803, %select_n3A_794, %select_n3A_805 : vector<16xi1>, vector<16xf32>
      %select_n3A_807 = arith.select %gt3A_804, %broadcast_in_dim3A_802, %select_n3A_793 : vector<16xi1>, vector<16xi32>
      %select_n3A_808 = arith.select %gt3A_803, %select_n3A_795, %select_n3A_807 : vector<16xi1>, vector<16xi32>
      %select_n3A_809 = arith.select %gt3A_803, %get3A_800, %select_n3A_794 : vector<16xi1>, vector<16xf32>
      %select_n3A_810 = arith.select %gt3A_803, %broadcast_in_dim3A_802, %select_n3A_795 : vector<16xi1>, vector<16xi32>
      %get3A_811 = arith.constant 54 : i32
      %get3A_812 = arith.index_cast %get3A_811 : i32 to index
      %get3A_813 = arith.index_cast %mul3A_13 : i32 to index
      %get3A_814 = tpu.vector_load %arg5[%get3A_812, %get3A_813] {strides = array<i32>} : memref<64x1024xf32, #tpu.memory_space<vmem>>, vector<1x16xf32>,
      %get3A_815 = vector.shape_cast %get3A_814 : vector<1x16xf32> to vector<16xf32>
      %broadcast_in_dim3A_816 = arith.constant 54 : i32
      %broadcast_in_dim3A_817 = vector.broadcast %broadcast_in_dim3A_816 : i32 to vector<16xi32>
      %gt3A_818 = arith.cmpf ogt, %get3A_815, %select_n3A_809 : vector<16xf32>
      %gt3A_819 = arith.cmpf ogt, %get3A_815, %select_n3A_806 : vector<16xf32>
      %select_n3A_820 = arith.select %gt3A_819, %get3A_815, %select_n3A_806 : vector<16xi1>, vector<16xf32>
      %select_n3A_821 = arith.select %gt3A_818, %select_n3A_809, %select_n3A_820 : vector<16xi1>, vector<16xf32>
      %select_n3A_822 = arith.select %gt3A_819, %broadcast_in_dim3A_817, %select_n3A_808 : vector<16xi1>, vector<16xi32>
      %select_n3A_823 = arith.select %gt3A_818, %select_n3A_810, %select_n3A_822 : vector<16xi1>, vector<16xi32>
      %select_n3A_824 = arith.select %gt3A_818, %get3A_815, %select_n3A_809 : vector<16xi1>, vector<16xf32>
      %select_n3A_825 = arith.select %gt3A_818, %broadcast_in_dim3A_817, %select_n3A_810 : vector<16xi1>, vector<16xi32>
      %get3A_826 = arith.constant 55 : i32
      %get3A_827 = arith.index_cast %get3A_826 : i32 to index
      %get3A_828 = arith.index_cast %mul3A_13 : i32 to index
      %get3A_829 = tpu.vector_load %arg5[%get3A_827, %get3A_828] {strides = array<i32>} : memref<64x1024xf32, #tpu.memory_space<vmem>>, vector<1x16xf32>,
      %get3A_830 = vector.shape_cast %get3A_829 : vector<1x16xf32> to vector<16xf32>
      %broadcast_in_dim3A_831 = arith.constant 55 : i32
      %broadcast_in_dim3A_832 = vector.broadcast %broadcast_in_dim3A_831 : i32 to vector<16xi32>
      %gt3A_833 = arith.cmpf ogt, %get3A_830, %select_n3A_824 : vector<16xf32>
      %gt3A_834 = arith.cmpf ogt, %get3A_830, %select_n3A_821 : vector<16xf32>
      %select_n3A_835 = arith.select %gt3A_834, %get3A_830, %select_n3A_821 : vector<16xi1>, vector<16xf32>
      %select_n3A_836 = arith.select %gt3A_833, %select_n3A_824, %select_n3A_835 : vector<16xi1>, vector<16xf32>
      %select_n3A_837 = arith.select %gt3A_834, %broadcast_in_dim3A_832, %select_n3A_823 : vector<16xi1>, vector<16xi32>
      %select_n3A_838 = arith.select %gt3A_833, %select_n3A_825, %select_n3A_837 : vector<16xi1>, vector<16xi32>
      %select_n3A_839 = arith.select %gt3A_833, %get3A_830, %select_n3A_824 : vector<16xi1>, vector<16xf32>
      %select_n3A_840 = arith.select %gt3A_833, %broadcast_in_dim3A_832, %select_n3A_825 : vector<16xi1>, vector<16xi32>
      %get3A_841 = arith.constant 56 : i32
      %get3A_842 = arith.index_cast %get3A_841 : i32 to index
      %get3A_843 = arith.index_cast %mul3A_13 : i32 to index
      %get3A_844 = tpu.vector_load %arg5[%get3A_842, %get3A_843] {strides = array<i32>} : memref<64x1024xf32, #tpu.memory_space<vmem>>, vector<1x16xf32>,
      %get3A_845 = vector.shape_cast %get3A_844 : vector<1x16xf32> to vector<16xf32>
      %broadcast_in_dim3A_846 = arith.constant 56 : i32
      %broadcast_in_dim3A_847 = vector.broadcast %broadcast_in_dim3A_846 : i32 to vector<16xi32>
      %gt3A_848 = arith.cmpf ogt, %get3A_845, %select_n3A_839 : vector<16xf32>
      %gt3A_849 = arith.cmpf ogt, %get3A_845, %select_n3A_836 : vector<16xf32>
      %select_n3A_850 = arith.select %gt3A_849, %get3A_845, %select_n3A_836 : vector<16xi1>, vector<16xf32>
      %select_n3A_851 = arith.select %gt3A_848, %select_n3A_839, %select_n3A_850 : vector<16xi1>, vector<16xf32>
      %select_n3A_852 = arith.select %gt3A_849, %broadcast_in_dim3A_847, %select_n3A_838 : vector<16xi1>, vector<16xi32>
      %select_n3A_853 = arith.select %gt3A_848, %select_n3A_840, %select_n3A_852 : vector<16xi1>, vector<16xi32>
      %select_n3A_854 = arith.select %gt3A_848, %get3A_845, %select_n3A_839 : vector<16xi1>, vector<16xf32>
      %select_n3A_855 = arith.select %gt3A_848, %broadcast_in_dim3A_847, %select_n3A_840 : vector<16xi1>, vector<16xi32>
      %get3A_856 = arith.constant 57 : i32
      %get3A_857 = arith.index_cast %get3A_856 : i32 to index
      %get3A_858 = arith.index_cast %mul3A_13 : i32 to index
      %get3A_859 = tpu.vector_load %arg5[%get3A_857, %get3A_858] {strides = array<i32>} : memref<64x1024xf32, #tpu.memory_space<vmem>>, vector<1x16xf32>,
      %get3A_860 = vector.shape_cast %get3A_859 : vector<1x16xf32> to vector<16xf32>
      %broadcast_in_dim3A_861 = arith.constant 57 : i32
      %broadcast_in_dim3A_862 = vector.broadcast %broadcast_in_dim3A_861 : i32 to vector<16xi32>
      %gt3A_863 = arith.cmpf ogt, %get3A_860, %select_n3A_854 : vector<16xf32>
      %gt3A_864 = arith.cmpf ogt, %get3A_860, %select_n3A_851 : vector<16xf32>
      %select_n3A_865 = arith.select %gt3A_864, %get3A_860, %select_n3A_851 : vector<16xi1>, vector<16xf32>
      %select_n3A_866 = arith.select %gt3A_863, %select_n3A_854, %select_n3A_865 : vector<16xi1>, vector<16xf32>
      %select_n3A_867 = arith.select %gt3A_864, %broadcast_in_dim3A_862, %select_n3A_853 : vector<16xi1>, vector<16xi32>
      %select_n3A_868 = arith.select %gt3A_863, %select_n3A_855, %select_n3A_867 : vector<16xi1>, vector<16xi32>
      %select_n3A_869 = arith.select %gt3A_863, %get3A_860, %select_n3A_854 : vector<16xi1>, vector<16xf32>
      %select_n3A_870 = arith.select %gt3A_863, %broadcast_in_dim3A_862, %select_n3A_855 : vector<16xi1>, vector<16xi32>
      %get3A_871 = arith.constant 58 : i32
      %get3A_872 = arith.index_cast %get3A_871 : i32 to index
      %get3A_873 = arith.index_cast %mul3A_13 : i32 to index
      %get3A_874 = tpu.vector_load %arg5[%get3A_872, %get3A_873] {strides = array<i32>} : memref<64x1024xf32, #tpu.memory_space<vmem>>, vector<1x16xf32>,
      %get3A_875 = vector.shape_cast %get3A_874 : vector<1x16xf32> to vector<16xf32>
      %broadcast_in_dim3A_876 = arith.constant 58 : i32
      %broadcast_in_dim3A_877 = vector.broadcast %broadcast_in_dim3A_876 : i32 to vector<16xi32>
      %gt3A_878 = arith.cmpf ogt, %get3A_875, %select_n3A_869 : vector<16xf32>
      %gt3A_879 = arith.cmpf ogt, %get3A_875, %select_n3A_866 : vector<16xf32>
      %select_n3A_880 = arith.select %gt3A_879, %get3A_875, %select_n3A_866 : vector<16xi1>, vector<16xf32>
      %select_n3A_881 = arith.select %gt3A_878, %select_n3A_869, %select_n3A_880 : vector<16xi1>, vector<16xf32>
      %select_n3A_882 = arith.select %gt3A_879, %broadcast_in_dim3A_877, %select_n3A_868 : vector<16xi1>, vector<16xi32>
      %select_n3A_883 = arith.select %gt3A_878, %select_n3A_870, %select_n3A_882 : vector<16xi1>, vector<16xi32>
      %select_n3A_884 = arith.select %gt3A_878, %get3A_875, %select_n3A_869 : vector<16xi1>, vector<16xf32>
      %select_n3A_885 = arith.select %gt3A_878, %broadcast_in_dim3A_877, %select_n3A_870 : vector<16xi1>, vector<16xi32>
      %get3A_886 = arith.constant 59 : i32
      %get3A_887 = arith.index_cast %get3A_886 : i32 to index
      %get3A_888 = arith.index_cast %mul3A_13 : i32 to index
      %get3A_889 = tpu.vector_load %arg5[%get3A_887, %get3A_888] {strides = array<i32>} : memref<64x1024xf32, #tpu.memory_space<vmem>>, vector<1x16xf32>,
      %get3A_890 = vector.shape_cast %get3A_889 : vector<1x16xf32> to vector<16xf32>
      %broadcast_in_dim3A_891 = arith.constant 59 : i32
      %broadcast_in_dim3A_892 = vector.broadcast %broadcast_in_dim3A_891 : i32 to vector<16xi32>
      %gt3A_893 = arith.cmpf ogt, %get3A_890, %select_n3A_884 : vector<16xf32>
      %gt3A_894 = arith.cmpf ogt, %get3A_890, %select_n3A_881 : vector<16xf32>
      %select_n3A_895 = arith.select %gt3A_894, %get3A_890, %select_n3A_881 : vector<16xi1>, vector<16xf32>
      %select_n3A_896 = arith.select %gt3A_893, %select_n3A_884, %select_n3A_895 : vector<16xi1>, vector<16xf32>
      %select_n3A_897 = arith.select %gt3A_894, %broadcast_in_dim3A_892, %select_n3A_883 : vector<16xi1>, vector<16xi32>
      %select_n3A_898 = arith.select %gt3A_893, %select_n3A_885, %select_n3A_897 : vector<16xi1>, vector<16xi32>
      %select_n3A_899 = arith.select %gt3A_893, %get3A_890, %select_n3A_884 : vector<16xi1>, vector<16xf32>
      %select_n3A_900 = arith.select %gt3A_893, %broadcast_in_dim3A_892, %select_n3A_885 : vector<16xi1>, vector<16xi32>
      %get3A_901 = arith.constant 60 : i32
      %get3A_902 = arith.index_cast %get3A_901 : i32 to index
      %get3A_903 = arith.index_cast %mul3A_13 : i32 to index
      %get3A_904 = tpu.vector_load %arg5[%get3A_902, %get3A_903] {strides = array<i32>} : memref<64x1024xf32, #tpu.memory_space<vmem>>, vector<1x16xf32>,
      %get3A_905 = vector.shape_cast %get3A_904 : vector<1x16xf32> to vector<16xf32>
      %broadcast_in_dim3A_906 = arith.constant 60 : i32
      %broadcast_in_dim3A_907 = vector.broadcast %broadcast_in_dim3A_906 : i32 to vector<16xi32>
      %gt3A_908 = arith.cmpf ogt, %get3A_905, %select_n3A_899 : vector<16xf32>
      %gt3A_909 = arith.cmpf ogt, %get3A_905, %select_n3A_896 : vector<16xf32>
      %select_n3A_910 = arith.select %gt3A_909, %get3A_905, %select_n3A_896 : vector<16xi1>, vector<16xf32>
      %select_n3A_911 = arith.select %gt3A_908, %select_n3A_899, %select_n3A_910 : vector<16xi1>, vector<16xf32>
      %select_n3A_912 = arith.select %gt3A_909, %broadcast_in_dim3A_907, %select_n3A_898 : vector<16xi1>, vector<16xi32>
      %select_n3A_913 = arith.select %gt3A_908, %select_n3A_900, %select_n3A_912 : vector<16xi1>, vector<16xi32>
      %select_n3A_914 = arith.select %gt3A_908, %get3A_905, %select_n3A_899 : vector<16xi1>, vector<16xf32>
      %select_n3A_915 = arith.select %gt3A_908, %broadcast_in_dim3A_907, %select_n3A_900 : vector<16xi1>, vector<16xi32>
      %get3A_916 = arith.constant 61 : i32
      %get3A_917 = arith.index_cast %get3A_916 : i32 to index
      %get3A_918 = arith.index_cast %mul3A_13 : i32 to index
      %get3A_919 = tpu.vector_load %arg5[%get3A_917, %get3A_918] {strides = array<i32>} : memref<64x1024xf32, #tpu.memory_space<vmem>>, vector<1x16xf32>,
      %get3A_920 = vector.shape_cast %get3A_919 : vector<1x16xf32> to vector<16xf32>
      %broadcast_in_dim3A_921 = arith.constant 61 : i32
      %broadcast_in_dim3A_922 = vector.broadcast %broadcast_in_dim3A_921 : i32 to vector<16xi32>
      %gt3A_923 = arith.cmpf ogt, %get3A_920, %select_n3A_914 : vector<16xf32>
      %gt3A_924 = arith.cmpf ogt, %get3A_920, %select_n3A_911 : vector<16xf32>
      %select_n3A_925 = arith.select %gt3A_924, %get3A_920, %select_n3A_911 : vector<16xi1>, vector<16xf32>
      %select_n3A_926 = arith.select %gt3A_923, %select_n3A_914, %select_n3A_925 : vector<16xi1>, vector<16xf32>
      %select_n3A_927 = arith.select %gt3A_924, %broadcast_in_dim3A_922, %select_n3A_913 : vector<16xi1>, vector<16xi32>
      %select_n3A_928 = arith.select %gt3A_923, %select_n3A_915, %select_n3A_927 : vector<16xi1>, vector<16xi32>
      %select_n3A_929 = arith.select %gt3A_923, %get3A_920, %select_n3A_914 : vector<16xi1>, vector<16xf32>
      %select_n3A_930 = arith.select %gt3A_923, %broadcast_in_dim3A_922, %select_n3A_915 : vector<16xi1>, vector<16xi32>
      %get3A_931 = arith.constant 62 : i32
      %get3A_932 = arith.index_cast %get3A_931 : i32 to index
      %get3A_933 = arith.index_cast %mul3A_13 : i32 to index
      %get3A_934 = tpu.vector_load %arg5[%get3A_932, %get3A_933] {strides = array<i32>} : memref<64x1024xf32, #tpu.memory_space<vmem>>, vector<1x16xf32>,
      %get3A_935 = vector.shape_cast %get3A_934 : vector<1x16xf32> to vector<16xf32>
      %broadcast_in_dim3A_936 = arith.constant 62 : i32
      %broadcast_in_dim3A_937 = vector.broadcast %broadcast_in_dim3A_936 : i32 to vector<16xi32>
      %gt3A_938 = arith.cmpf ogt, %get3A_935, %select_n3A_929 : vector<16xf32>
      %gt3A_939 = arith.cmpf ogt, %get3A_935, %select_n3A_926 : vector<16xf32>
      %select_n3A_940 = arith.select %gt3A_939, %get3A_935, %select_n3A_926 : vector<16xi1>, vector<16xf32>
      %select_n3A_941 = arith.select %gt3A_938, %select_n3A_929, %select_n3A_940 : vector<16xi1>, vector<16xf32>
      %select_n3A_942 = arith.select %gt3A_939, %broadcast_in_dim3A_937, %select_n3A_928 : vector<16xi1>, vector<16xi32>
      %select_n3A_943 = arith.select %gt3A_938, %select_n3A_930, %select_n3A_942 : vector<16xi1>, vector<16xi32>
      %select_n3A_944 = arith.select %gt3A_938, %get3A_935, %select_n3A_929 : vector<16xi1>, vector<16xf32>
      %select_n3A_945 = arith.select %gt3A_938, %broadcast_in_dim3A_937, %select_n3A_930 : vector<16xi1>, vector<16xi32>
      %get3A_946 = arith.constant 63 : i32
      %get3A_947 = arith.index_cast %get3A_946 : i32 to index
      %get3A_948 = arith.index_cast %mul3A_13 : i32 to index
      %get3A_949 = tpu.vector_load %arg5[%get3A_947, %get3A_948] {strides = array<i32>} : memref<64x1024xf32, #tpu.memory_space<vmem>>, vector<1x16xf32>,
      %get3A_950 = vector.shape_cast %get3A_949 : vector<1x16xf32> to vector<16xf32>
      %broadcast_in_dim3A_951 = arith.constant 63 : i32
      %broadcast_in_dim3A_952 = vector.broadcast %broadcast_in_dim3A_951 : i32 to vector<16xi32>
      %gt3A_953 = arith.cmpf ogt, %get3A_950, %select_n3A_944 : vector<16xf32>
      %gt3A_954 = arith.cmpf ogt, %get3A_950, %select_n3A_941 : vector<16xf32>
      %select_n3A_955 = arith.select %gt3A_954, %get3A_950, %select_n3A_941 : vector<16xi1>, vector<16xf32>
      %select_n3A_956 = arith.select %gt3A_953, %select_n3A_944, %select_n3A_955 : vector<16xi1>, vector<16xf32>
      %select_n3A_957 = arith.select %gt3A_954, %broadcast_in_dim3A_952, %select_n3A_943 : vector<16xi1>, vector<16xi32>
      %select_n3A_958 = arith.select %gt3A_953, %select_n3A_945, %select_n3A_957 : vector<16xi1>, vector<16xi32>
      %select_n3A_959 = arith.select %gt3A_953, %get3A_950, %select_n3A_944 : vector<16xi1>, vector<16xf32>
      %select_n3A_960 = arith.select %gt3A_953, %broadcast_in_dim3A_952, %select_n3A_945 : vector<16xi1>, vector<16xi32>
      %swap3A = arith.index_cast %mul3A_13 : i32 to index
      %swap3A_961 = tpu.vector_load %arg6[%swap3A] {strides = array<i32>} : memref<1024xi32, #tpu.memory_space<vmem>>, vector<16xi32>,
      %swap3A_962 = vector.shape_cast %swap3A_961 : vector<16xi32> to vector<16xi32>
      %swap3A_963 = vector.shape_cast %select_n3A_960 : vector<16xi32> to vector<16xi32>
      tpu.vector_store %arg6[%swap3A], %swap3A_963 {strides = array<i32>} : memref<1024xi32, #tpu.memory_space<vmem>>, vector<16xi32>,
      %swap3A_964 = arith.index_cast %mul3A_13 : i32 to index
      %swap3A_965 = tpu.vector_load %arg7[%swap3A_964] {strides = array<i32>} : memref<1024xi32, #tpu.memory_space<vmem>>, vector<16xi32>,
      %swap3A_966 = vector.shape_cast %swap3A_965 : vector<16xi32> to vector<16xi32>
      %swap3A_967 = vector.shape_cast %select_n3A_958 : vector<16xi32> to vector<16xi32>
      tpu.vector_store %arg7[%swap3A_964], %swap3A_967 {strides = array<i32>} : memref<1024xi32, #tpu.memory_space<vmem>>, vector<16xi32>,
    }
    %scan3A_10 = arith.constant 64 : i32
    "tpu.region"() ({
      %run_scoped3A = tpu.sem_alloc : memref<!tpu.dma_semaphore, #tpu.memory_space<semaphore_mem>>
      %dma_start3A = tpu.memref_slice %arg3[%mul3A_2] : memref<32768xi32, #tpu.memory_space<hbm>> -> memref<1024xi32, #tpu.memory_space<hbm>>
      %dma_start3A_11 = tpu.memref_slice %arg3[%mul3A_2] : memref<32768xi32, #tpu.memory_space<hbm>> -> memref<1024xi32, #tpu.memory_space<hbm>>
      tpu.enqueue_dma source(%arg6 : memref<1024xi32, #tpu.memory_space<vmem>>) target(%dma_start3A_11 : memref<1024xi32, #tpu.memory_space<hbm>>) target_semaphore(%run_scoped3A : memref<!tpu.dma_semaphore, #tpu.memory_space<semaphore_mem>>)
      %dma_wait3A = tpu.memref_slice %arg3[%mul3A_2] : memref<32768xi32, #tpu.memory_space<hbm>> -> memref<1024xi32, #tpu.memory_space<hbm>>
      %dma_wait3A_12 = tpu.memref_slice %arg3[%mul3A_2] : memref<32768xi32, #tpu.memory_space<hbm>> -> memref<1024xi32, #tpu.memory_space<hbm>>
      tpu.wait_dma2 semaphore(%run_scoped3A : memref<!tpu.dma_semaphore, #tpu.memory_space<semaphore_mem>>) src(%arg6 : memref<1024xi32, #tpu.memory_space<vmem>>) dst(%dma_wait3A_12 : memref<1024xi32, #tpu.memory_space<hbm>>)
      tpu.yield
    }) : () -> ()
    "tpu.region"() ({
      %run_scoped3A = tpu.sem_alloc : memref<!tpu.dma_semaphore, #tpu.memory_space<semaphore_mem>>
      %dma_start3A = tpu.memref_slice %arg4[%mul3A_2] : memref<32768xi32, #tpu.memory_space<hbm>> -> memref<1024xi32, #tpu.memory_space<hbm>>
      %dma_start3A_11 = tpu.memref_slice %arg4[%mul3A_2] : memref<32768xi32, #tpu.memory_space<hbm>> -> memref<1024xi32, #tpu.memory_space<hbm>>
      tpu.enqueue_dma source(%arg7 : memref<1024xi32, #tpu.memory_space<vmem>>) target(%dma_start3A_11 : memref<1024xi32, #tpu.memory_space<hbm>>) target_semaphore(%run_scoped3A : memref<!tpu.dma_semaphore, #tpu.memory_space<semaphore_mem>>)
      %dma_wait3A = tpu.memref_slice %arg4[%mul3A_2] : memref<32768xi32, #tpu.memory_space<hbm>> -> memref<1024xi32, #tpu.memory_space<hbm>>
      %dma_wait3A_12 = tpu.memref_slice %arg4[%mul3A_2] : memref<32768xi32, #tpu.memory_space<hbm>> -> memref<1024xi32, #tpu.memory_space<hbm>>
      tpu.wait_dma2 semaphore(%run_scoped3A : memref<!tpu.dma_semaphore, #tpu.memory_space<semaphore_mem>>) src(%arg7 : memref<1024xi32, #tpu.memory_space<vmem>>) dst(%dma_wait3A_12 : memref<1024xi32, #tpu.memory_space<hbm>>)
      tpu.yield
    }) : () -> ()
    return
  }
}

module attributes {stable_mosaic.version = 14 : i64} {
  func.func @_gate_body(%arg0: i32, %arg1: memref<4096x768xf32, #tpu.memory_space<vmem>>, %arg2: memref<64x768xf32, #tpu.memory_space<vmem>>, %arg3: memref<64x1xf32, #tpu.memory_space<vmem>>, %arg4: memref<4x64x1024xf32, #tpu.memory_space<vmem>>) attributes {dimension_semantics = [#tpu.dimension_semantics<arbitrary>], iteration_bounds = array<i64: 8>, scalar_prefetch = 0 : i64, scratch_operands = 0 : i64, tpu.core_type = #tpu.core_type<tc>, window_params = [{transform_indices = @transform_0, window_bounds = array<i64: 4096, 768>}, {pipeline_mode = #tpu.pipeline_mode<synchronous>, transform_indices = @transform_1, window_bounds = array<i64: 64, 768>}, {pipeline_mode = #tpu.pipeline_mode<synchronous>, transform_indices = @transform_2, window_bounds = array<i64: 64, 1>}, {transform_indices = @transform_3, window_bounds = array<i64: 4, 64, 1024>}]} {
    %get3A = arith.constant 0 : index
    %get3A_0 = arith.constant 0 : index
    %get3A_1 = vector.load %arg2[%get3A, %get3A_0] : memref<64x768xf32, #tpu.memory_space<vmem>>, vector<64x768xf32>
    %get3A_2 = arith.constant 0 : index
    %get3A_3 = arith.constant 0 : index
    %get3A_4 = vector.load %arg1[%get3A_2, %get3A_3] : memref<4096x768xf32, #tpu.memory_space<vmem>>, vector<4096x768xf32>
    %dot_general3A = arith.constant dense<0.000000e+00> : vector<64x4096xf32>
    %dot_general3A_5 = tpu.matmul %get3A_1, %get3A_4, %dot_general3A {dimension_numbers = #tpu.dot_dimension_numbers<[1], [1], [0], [0], [0, 0, 1, 0], [], []>, transpose_lhs_hint = false} : vector<64x768xf32>, vector<4096x768xf32>, vector<64x4096xf32> -> vector<64x4096xf32>
    %get3A_6 = arith.constant 0 : index
    %get3A_7 = arith.constant 0 : index
    %get3A_8 = vector.load %arg3[%get3A_6, %get3A_7] : memref<64x1xf32, #tpu.memory_space<vmem>>, vector<64x1xf32>
    %add3A = vector.broadcast %get3A_8 : vector<64x1xf32> to vector<64x4096xf32>
    %add3A_9 = arith.addf %dot_general3A_5, %add3A : vector<64x4096xf32>
    %slice3A = vector.extract_strided_slice %add3A_9 {offsets = [0, 0], sizes = [64, 1024], strides = [1, 1]} : vector<64x4096xf32> to vector<64x1024xf32>
    %swap3A = arith.constant 0 : index
    %swap3A_10 = arith.constant 0 : index
    %swap3A_11 = arith.constant 0 : index
    %swap3A_12 = vector.load %arg4[%swap3A, %swap3A_10, %swap3A_11] : memref<4x64x1024xf32, #tpu.memory_space<vmem>>, vector<1x64x1024xf32>
    %swap3A_13 = vector.shape_cast %swap3A_12 : vector<1x64x1024xf32> to vector<64x1024xf32>
    %swap3A_14 = vector.shape_cast %slice3A : vector<64x1024xf32> to vector<1x64x1024xf32>
    tpu.vector_store %arg4[%swap3A, %swap3A_10, %swap3A_11], %swap3A_14 {strides = array<i32>} : memref<4x64x1024xf32, #tpu.memory_space<vmem>>, vector<1x64x1024xf32>,
    %slice3A_15 = vector.extract_strided_slice %add3A_9 {offsets = [0, 1024], sizes = [64, 1024], strides = [1, 1]} : vector<64x4096xf32> to vector<64x1024xf32>
    %swap3A_16 = arith.constant 1 : index
    %swap3A_17 = arith.constant 0 : index
    %swap3A_18 = arith.constant 0 : index
    %swap3A_19 = vector.load %arg4[%swap3A_16, %swap3A_17, %swap3A_18] : memref<4x64x1024xf32, #tpu.memory_space<vmem>>, vector<1x64x1024xf32>
    %swap3A_20 = vector.shape_cast %swap3A_19 : vector<1x64x1024xf32> to vector<64x1024xf32>
    %swap3A_21 = vector.shape_cast %slice3A_15 : vector<64x1024xf32> to vector<1x64x1024xf32>
    tpu.vector_store %arg4[%swap3A_16, %swap3A_17, %swap3A_18], %swap3A_21 {strides = array<i32>} : memref<4x64x1024xf32, #tpu.memory_space<vmem>>, vector<1x64x1024xf32>,
    %slice3A_22 = vector.extract_strided_slice %add3A_9 {offsets = [0, 2048], sizes = [64, 1024], strides = [1, 1]} : vector<64x4096xf32> to vector<64x1024xf32>
    %swap3A_23 = arith.constant 2 : index
    %swap3A_24 = arith.constant 0 : index
    %swap3A_25 = arith.constant 0 : index
    %swap3A_26 = vector.load %arg4[%swap3A_23, %swap3A_24, %swap3A_25] : memref<4x64x1024xf32, #tpu.memory_space<vmem>>, vector<1x64x1024xf32>
    %swap3A_27 = vector.shape_cast %swap3A_26 : vector<1x64x1024xf32> to vector<64x1024xf32>
    %swap3A_28 = vector.shape_cast %slice3A_22 : vector<64x1024xf32> to vector<1x64x1024xf32>
    tpu.vector_store %arg4[%swap3A_23, %swap3A_24, %swap3A_25], %swap3A_28 {strides = array<i32>} : memref<4x64x1024xf32, #tpu.memory_space<vmem>>, vector<1x64x1024xf32>,
    %slice3A_29 = vector.extract_strided_slice %add3A_9 {offsets = [0, 3072], sizes = [64, 1024], strides = [1, 1]} : vector<64x4096xf32> to vector<64x1024xf32>
    %swap3A_30 = arith.constant 3 : index
    %swap3A_31 = arith.constant 0 : index
    %swap3A_32 = arith.constant 0 : index
    %swap3A_33 = vector.load %arg4[%swap3A_30, %swap3A_31, %swap3A_32] : memref<4x64x1024xf32, #tpu.memory_space<vmem>>, vector<1x64x1024xf32>
    %swap3A_34 = vector.shape_cast %swap3A_33 : vector<1x64x1024xf32> to vector<64x1024xf32>
    %swap3A_35 = vector.shape_cast %slice3A_29 : vector<64x1024xf32> to vector<1x64x1024xf32>
    tpu.vector_store %arg4[%swap3A_30, %swap3A_31, %swap3A_32], %swap3A_35 {strides = array<i32>} : memref<4x64x1024xf32, #tpu.memory_space<vmem>>, vector<1x64x1024xf32>,
    return
  }
  func.func @transform_0(%arg0: i32) -> (i32, i32) {
    %c0_i32 = arith.constant 0 : i32
    %c0_i32_0 = arith.constant 0 : i32
    return %arg0, %c0_i32 : i32, i32
  }
  func.func @transform_1(%arg0: i32) -> (i32, i32) {
    %c0_i32 = arith.constant 0 : i32
    %c0_i32_0 = arith.constant 0 : i32
    %c0_i32_1 = arith.constant 0 : i32
    return %c0_i32, %c0_i32_0 : i32, i32
  }
  func.func @transform_2(%arg0: i32) -> (i32, i32) {
    %c0_i32 = arith.constant 0 : i32
    %c0_i32_0 = arith.constant 0 : i32
    %c0_i32_1 = arith.constant 0 : i32
    return %c0_i32, %c0_i32_0 : i32, i32
  }
  func.func @transform_3(%arg0: i32) -> (i32, i32, i32) {
    %c0_i32 = arith.constant 0 : i32
    %c0_i32_0 = arith.constant 0 : i32
    %c0_i32_1 = arith.constant 0 : i32
    return %arg0, %c0_i32, %c0_i32_0 : i32, i32, i32
  }
}

</mosaic_0001>

<sc_bundles>
// kernel: _run.4.cloned.1.call-start
scs
__scs_entry_jumppad:
0x0: {  	(pc) =	sbr.rel $0x88, $3  }
0x1: {  	(tag) =	ssettag $0x0;
	lr =	simm.s32 $0x1  }
0x2: {  	[smem:$0x3F9E] =	sst lr;
	_ =	strace $0xD0000000  }
0x3: {  	_ = 	snop  }
0x4: {  	_ = 	snop  }
0x5: {  	_ = 	snop  }
0x6: {  	_ = 	snop  }
0x7: {  	_ = 	snop  }
__scs_overlays_trampoline_lowered:
0x8: {  	[smem:$0x3FAD] =	sst s0  }
0x9: {  	[smem:$0x3FAE] =	sst s1  }
0xa: {  	[smem:$0x3FAF] =	sst s2  }
0xb: {  	[smem:$0x3FB0] =	sst s3  }
0xc: {  	[smem:$0x3FB1] =	sst s4  }
0xd: {  	[smem:$0x3FB2] =	sst s5  }
0xe: {  	[smem:$0x3FB3] =	sst s6  }
0xf: {  	[smem:$0x3FB4] =	sst s7  }
0x10: {  	[smem:$0x3FB5] =	sst s8  }
0x11: {  	[smem:$0x3FB6] =	sst s9;
	s0 =	simm.s32 @!p0 $0x0  }
0x12: {  	s1 =	sld [smem:$0x3F9C];
	s0 =	simm.s32 @p0 $0x1  }
0x13: {  	[smem:$0x3FB7] =	sst s0;
	s0 =	simm.s32 @!p1 $0x0  }
0x14: {  	s2 =	sld [smem:$0x3F9B];
	s0 =	simm.s32 @p1 $0x1  }
0x15: {  	[smem:$0x3FB8] =	sst s0;
	s0 =	simm.s32 @!p2 $0x0  }
0x16: {  	s3 =	sld [smem:$0x3FDB];
	s0 =	simm.s32 @p2 $0x1  }
0x17: {  	s4 =	simm.s32 $0x1BF5;
	[smem:$0x3FBA] =	sst s0  }
0x18: {  	s0 =	sld [smem:$0x3F9D];
	_ =	swait.ge [sflag:s4], $0x0  }
0x19: {  	s7 =	sld [smem:$0x3F9E]  }
0x1a: {  	s8 =	sadd.s32 $0xFFFFE003, lr  }
0x1b: {  	s9 =	sadd.s32 $0xFFFFFEF7, lr;
	s5 =	simm.s32 $0xFFFFFFFF;
	p2 =	slt.u32 s8, $0xFFFFF086  }
0x1c: {  	p1 =	slt.u32 s9, $0xF7A;
	s5 =	simm.s32 @!p2 $0x0  }
0x1d: {  	s5 =	simm.s32 @p1 $0x1;
	p0 =	seq.s32 s7, s2  }
0x1e: {  	s7 =	smul.u32 @!p0 $0xF7A, s2;
	p2 =	seq.s32 @!p0 s5, $0x0  }
0x1f: {  	s9 =	smul.u32 $0xF7A, s1;
	s8 =	simm.s32 @!p0 $0x1BF5;
	p2 =	por !p2, p0  }
0x20: {  	[sflag:s8] =	ssyncset.s32 @!p0 $0xFFFFF086;
	s6 =	sadd.s32 @!p0 s3, s7;
	s7 =	simm.s32 @!p0 $0x108  }
0x21: {  	s3 =	sadd.s32 s3, s9;
	s6 =	sadd.s32 @!p0 $0x88, s6;
	s7 =	simm.s32 @p2 $0x1082  }
0x22: {  	[simem:s7], [sflag:s8] =	dma.local @!p0 [hbm:s6], $0xF7A  }
0x23: {  	s9 =	sor.u32 $0xD0000000, s2;
	s6 =	simm.s32 $0x108;
	_ =	swait.ge @!p0 [sflag:s8], $0x0  }
0x24: {  	s3 =	sadd.s32 $0x88, s3;
	s6 =	simm.s32 @!p1 $0x1082;
	[sflag:s4] =	ssyncset.s32 $0xFFFFF086  }
0x25: {  	[simem:s6], [sflag:s4] =	dma.local [hbm:s3], $0xF7A  }
0x26: {  	[smem:$0x3F9E] =	sst s1;
	(tag) =	ssettag s2;
	_ =	strace s9  }
0x27: {  	s1 =	sld [smem:$0x3FAE]  }
0x28: {  	s2 =	sld [smem:$0x3FAF]  }
0x29: {  	s4 =	sld [smem:$0x3FB1]  }
0x2a: {  	p0 =	seq.s32 s5, $0x0;
	s5 =	sld [smem:$0x3FB2]  }
0x2b: {  	s6 =	sld [smem:$0x3FB3]  }
0x2c: {  	s7 =	sld [smem:$0x3FB4]  }
0x2d: {  	s3 =	simm.s32 $0x108;
	s8 =	sld [smem:$0x3FB5]  }
0x2e: {  	s3 =	simm.s32 @!p0 $0x1082;
	s9 =	sld [smem:$0x3FB6]  }
0x2f: {  	lr =	sadd.s32 s0, s3;
	s0 =	sld [smem:$0x3FAD]  }
0x30: {  	s3 =	sld [smem:$0x3FB0]  }
0x31: {  	[smem:$0x3FB9] =	sst s10  }
0x32: {  	s10 =	sld [smem:$0x3FB7];
	_ =	sdelay $0x3  }
0x33: {  	p0 =	seq.s32 s10, $0x1;
	s10 =	sld [smem:$0x3FB9];
	_ =	sdelay $0x3  }
0x34: {  	[smem:$0x3FB9] =	sst s10  }
0x35: {  	s10 =	sld [smem:$0x3FB8];
	_ =	sdelay $0x3  }
0x36: {  	p1 =	seq.s32 s10, $0x1;
	s10 =	sld [smem:$0x3FB9];
	_ =	sdelay $0x3  }
0x37: {  	[smem:$0x3FB9] =	sst s10  }
0x38: {  	s10 =	sld [smem:$0x3FBA]  }
0x39: {  	_ = 	snop;
	(pc) =	sbr.ind lr, $3  }
0x3a: {  	_ = 	snop  }
0x3b: {  	_ = 	snop  }
0x3c: {  	p2 =	seq.s32 s10, $0x1;
	s10 =	sld [smem:$0x3FB9]  }
0x3d: {  	_ =	shalt  }
0x3e: {  	_ =	shalt  }
0x3f: {  	_ =	shalt  }
0x40: {  	_ =	shalt  }
0x41: {  	_ =	shalt  }
0x42: {  	_ =	shalt  }
0x43: {  	_ =	shalt  }
0x44: {  	_ =	shalt  }
0x45: {  	_ =	shalt  }
0x46: {  	_ =	shalt  }
0x47: {  	_ =	shalt  }
0x48: {  	_ =	shalt  }
0x49: {  	_ =	shalt  }
0x4a: {  	_ =	shalt  }
0x4b: {  	_ =	shalt  }
0x4c: {  	_ =	shalt  }
0x4d: {  	_ =	shalt  }
0x4e: {  	_ =	shalt  }
0x4f: {  	_ =	shalt  }
0x50: {  	_ =	shalt  }
0x51: {  	_ =	shalt  }
0x52: {  	_ =	shalt  }
0x53: {  	_ =	shalt  }
0x54: {  	_ =	shalt  }
0x55: {  	_ =	shalt  }
0x56: {  	_ =	shalt  }
0x57: {  	_ =	shalt  }
0x58: {  	_ =	shalt  }
0x59: {  	_ =	shalt  }
0x5a: {  	_ =	shalt  }
0x5b: {  	_ =	shalt  }
0x5c: {  	_ =	shalt  }
0x5d: {  	_ =	shalt  }
0x5e: {  	_ =	shalt  }
0x5f: {  	_ =	shalt  }
0x60: {  	_ =	shalt  }
0x61: {  	_ =	shalt  }
0x62: {  	_ =	shalt  }
0x63: {  	_ =	shalt  }
0x64: {  	_ =	shalt  }
0x65: {  	_ =	shalt  }
0x66: {  	_ =	shalt  }
0x67: {  	_ =	shalt  }
0x68: {  	_ =	shalt  }
0x69: {  	_ =	shalt  }
0x6a: {  	_ =	shalt  }
0x6b: {  	_ =	shalt  }
0x6c: {  	_ =	shalt  }
0x6d: {  	_ =	shalt  }
0x6e: {  	_ =	shalt  }
0x6f: {  	_ =	shalt  }
0x70: {  	_ =	shalt  }
0x71: {  	_ =	shalt  }
0x72: {  	_ =	shalt  }
0x73: {  	_ =	shalt  }
0x74: {  	_ =	shalt  }
0x75: {  	_ =	shalt  }
0x76: {  	_ =	shalt  }
0x77: {  	_ =	shalt  }
0x78: {  	_ =	shalt  }
0x79: {  	_ =	shalt  }
0x7a: {  	_ =	shalt  }
0x7b: {  	_ =	shalt  }
0x7c: {  	_ =	shalt  }
0x7d: {  	_ =	shalt  }
0x7e: {  	_ =	shalt  }
0x7f: {  	_ =	shalt  }
0x80: {  	_ =	shalt  }
0x81: {  	_ =	shalt  }
0x82: {  	_ =	shalt  }
0x83: {  	_ =	shalt  }
0x84: {  	_ =	shalt  }
0x85: {  	_ =	shalt  }
0x86: {  	_ =	shalt  }
0x87: {  	_ =	shalt  }
.Lfunc_end0:
.L_simem_size_0:
called_computation_lowered:
.L_overlay_start_0:
0x88: {  	s2 =	sld [smem:$0x3FD9]  }
0x89: {  	s3 =	sld [smem:$0x3FFE];
	_ =	sdelay $0x1  }
0x8a: {  	s1 =	srdreg.scid  }
0x8b: {  	s0 =	sand.u32 $0x1, s1  }
0x8c: {  	s16 =	sshll.u32 s0, $0xA;
	s2 =	sadd.s32 s3, s2  }
0x8d: {  	s2 =	sadd.s32 s2, s16  }
0x8e: {  	[smem:$0x3FC5] =	sst s2  }
0x8f: {  	_ = 	snop  }
0x90: {  	(tm) =	ssettm $0x1  }
0x91: {  	s17 =	sld [smem:$0x3FFB];
	_ =	sdelay $0x3  }
0x92: {  	_ =	strace s17  }
0x93: {  	s2 =	sld [smem:$0x3FFC];
	_ =	sdelay $0x3  }
0x94: {  	_ =	strace s2  }
0x95: {  	s2 =	sld [smem:$0x3FFD];
	_ =	sdelay $0x3  }
0x96: {  	_ =	strace s2  }
0x97: {  	_ =	strace $0x8FFFFFFF  }
0x98: {  	s18 =	sld [smem:$0x3FDB];
	_ =	sdelay $0x1  }
0x99: {  	s19 =	simm.s32 $_scs_section_size  }
0x9a: {  	s4 =	simm.s32 $_size__tile_overlayer_lowered;
	s5 =	simm.s32 $_tile_overlayer_lowered  }
0x9b: {  	s22 =	simm.s32 $0x1BFF;
	s21 =	sshll.u32 s5, $0x1;
	s2 =	sadd.s32 s19, s18  }
0x9c: {  	s6 =	simm.s32 $0x0;
	s20 =	sshll.u32 s4, $0x1;
	s4 =	sadd.s32 s21, s2  }
0x9d: {  	[timem:s6], [sflag:s22] =	dma.local [hbm:s4], s20  }
0x9e: {  	_ =	swait.ge [sflag:s22], s20  }
0x9f: {  	s3 =	ssub.s32 $0x0, s20;
	[sflag:s22] =	ssyncset.done $0x0  }
0xa0: {  	[sflag:s22] =	ssyncadd.s32 s3;
	_ =	sdelay $0x1  }
0xa1: {  	s23 =	simm.s32 $0x1B8B  }
0xa2: {  	_ =	swait.ge [sflag:s23], $0x1  }
0xa3: {  	[sflag:s23] =	ssyncset.done $0x0  }
0xa4: {  	s25 =	simm.s32 $0x1B8E;
	s24 =	sld [smem:$0x3FFE];
	[sflag:s23] =	ssyncadd.s32 $0xFFFFFFFF  }
0xa5: {  	s26 =	simm.s32 $execute0_lowered;
	[smem:$0x3FD2] =	sst s25  }
0xa6: {  	s4 =	sshll.u32 s26, $0x1;
	_ =	strace $0x80000046;
	[dreg:$0x1] =	wrdreg $0xFFFFFFFF  }
0xa7: {  	s28 =	simm.s32 $_size_execute0_lowered;
	s2 =	sadd.s32 s2, s4;
	[dreg:$0x0] =	wrdreg $0x0  }
0xa8: {  	s4 =	sshll.u32 s28, $0x1;
	[dreg:$0x2] =	wrdreg s2  }
0xa9: {  	[dreg:$0x3] =	wrdreg s4  }
0xaa: {  	[dreg:$0x4] =	wrdreg $0xC0  }
0xab: {  	_ =	task [dreg:s6], $0x5FFFF  }
0xac: {  	[dreg:$0x1] =	wrdreg $0xFFFFFFFF  }
0xad: {  	[dreg:$0x0] =	wrdreg $0x60  }
0xae: {  	[dreg:$0x2] =	wrdreg s24  }
0xaf: {  	[dreg:$0x3] =	wrdreg $0x9  }
0xb0: {  	_ =	task.clear_ibuf [dreg:s6], $0x4FFFF;
	_ =	strace $0x90000046  }
0xb1: {  	s29 =	simm.s32 $0x9;
	_ =	strace $0x80000048  }
0xb2: {  	_ =	swait.ge [sflag:s29], $0x1  }
0xb3: {  	[sflag:s29] =	ssyncadd.s32 $0xFFFFFFFF  }
0xb4: {  	_ =	strace $0x90000048  }
0xb5: {  	_ =	sfence  }
0xb6: {  	s30 =	sld [smem:$0x0];
	_ =	sdelay $0x2  }
0xb7: {  	s31 =	sshll.u32 s1, $0xD;
	s1 =	sshrl.u32 s1, $0x2  }
0xb8: {  	s3 =	sand.u32 $0x4000, s31;
	s1 =	sadd.s32 s1, s30  }
0xb9: {  	s0 =	sor.u32 s3, s0;
	s1 =	sshll.u32 s1, $0x11  }
0xba: {  	s0 =	sor.u32 s1, s0  }
0xbb: {  	s0 =	sadd.s32 $0x8F2B, s0  }
0xbc: {  	[sflag:s0] =	ssyncadd.remote.s32 $0x1  }
0xbd: {  	_ =	sfence.sel $0xFFFF  }
0xbe: {  	[dreg:$0x0] =	wrdreg $0xFFFFFFFF;
	(pc) =	sbr.abs _section_cstart, $3  }
0xbf: {  	[dreg:$0x1] =	wrdreg $0xFFFFFFFF  }
0xc0: {  	_ =	task.clear_ibuf [dreg:s6], $0x2FFFF;
	_ =	strace $0x9FFFFFFF  }
0xc1: {  	(tm) =	ssettm $0x7FFFFFFF  }
tec
execute0_lowered:
.L_overlay_start_1:
0x0: {  	(tag) =	ssettag $0x1  }
0x1: {  	s3 =	rddreg [dreg:$0x0]  }
0x2: {  	s0 =	rddreg [dreg:$0x1];
	s2 =	simm.s32 $0x0;
	s4 =	srdreg.scid  }
0x3: {  	s1 =	stileid.u32;
	s8 =	simm.s32 $0x10000;
	s9 =	simm.s32 $0x10400  }
0x4: {  	[smem:$0x7FF] =	sst s2;
	s4 =	sand.u32 $0x1, s4;
	s5 =	sshll.u32 s1, $0x1  }
0x5: {  	s10 =	simm.s32 $0x0;
	_ =	strace $0x80000047;
	s5 =	sor.u32 s4, s5  }
0x6: {  	s4 =	ssub.s32 $0x2, s4;
	s6 =	sshll.u32 s5, $0xD;
	s5 =	sshll.u32 s5, $0x7  }
0x7: {  	s31 =	sshrl.u32 s4, $0x1;
	s6 =	sadd.s32 s6, s3;
	s5 =	sadd.s32 s5, s3  }
0x8: {  	s7 =	ssub.s32 s4, s31;
	s3 =	sadd.s32 $0xC00, s6;
	s4 =	sadd.s32 $0x40C00, s5  }
0x9: {  	v0 =	vimm.s32 $0x0;
	s5 =	sadd.s32 $0x41C00, s5;
	s6 =	smax.u32 s7, $0x1;
	s7 =	simm.s32 $0x1  }
.LBB2_1:
0xa: {  	[tilespmem:s2], [sflag:$0x1] =	stream.linear.gather [hbm4b:s3+s2], $0x10000, $0x38;
	[tilespmem:$0x10800] =	vst v63  }
0xb: {  	_ =	swait.ge [sflag:s7], $0x10000  }
0xc: {  	s11 =	sand.u32 $0x70, s2;
	s12 =	sand.u32 $0x1C00, s2;
	[sflag:s7] =	ssyncset.done $0x0  }
0xd: {  	s11 =	sor.u32 s11, s12;
	[sflag:s7] =	ssyncadd.s32 $0xFFFF0000  }
0xe: {  	v1 =	vld [tilespmem:s11+$0x80]  }
0xf: {  	v2 =	vld [tilespmem:s11+$0x0];
	_ =	sdelay $0x2  }
0x10: {  	v3 =	vld [tilespmem:s11+$0x100]  }
0x11: {  	vm0 =	vlt.f32 v1, $-Inf;
	vm1 =	vgt.f32 v1, $-Inf  }
0x12: {  	vm2 =	vgt.f32 v1, v2;
	vm0 =	vmor vm1, vm0  }
0x13: {  	v5 =	vld [tilespmem:s11+$0x180];
	vm10 =	vmneg vm2;
	v4 =	vnsel vm0, $0xFF800000, v1  }
0x14: {  	v4 =	vsel vm10, v4, v2  }
0x15: {  	v1 =	vsel vm10, v2, v1;
	vm3 =	vgt.f32 v3, v4  }
0x16: {  	v54 =	vld [tilespmem:s11+$0x200];
	vm4 =	vgt.f32 v3, v1;
	v2 =	vsel vm3, v3, v4  }
0x17: {  	v2 =	vsel vm4, v1, v2  }
0x18: {  	v1 =	vsel vm4, v3, v1;
	vm5 =	vgt.f32 v5, v2  }
0x19: {  	v3 =	vld [tilespmem:s11+$0x280];
	vm11 =	vgt.f32 v5, v1;
	v2 =	vsel vm5, v5, v2  }
0x1a: {  	v2 =	vsel vm11, v1, v2  }
0x1b: {  	v1 =	vsel vm11, v5, v1;
	vm12 =	vgt.f32 v54, v2  }
0x1c: {  	v56 =	vld [tilespmem:s11+$0x300];
	vm13 =	vgt.f32 v54, v1;
	v2 =	vsel vm12, v54, v2  }
0x1d: {  	v2 =	vsel vm13, v1, v2  }
0x1e: {  	v1 =	vsel vm13, v54, v1;
	vm14 =	vgt.f32 v3, v2  }
0x1f: {  	v58 =	vld [tilespmem:s11+$0x380];
	vm0 =	vmand vm10, vm0;
	vm15 =	vgt.f32 v3, v1;
	v2 =	vsel vm14, v3, v2  }
0x20: {  	v7 =	vsel vm2, $0x1, v0;
	v6 =	vsel vm0, $0x1, v0;
	v2 =	vsel vm15, v1, v2  }
0x21: {  	v55 =	vsel vm3, $0x2, v6;
	v1 =	vsel vm15, v3, v1;
	vm8 =	vgt.f32 v56, v2  }
0x22: {  	v59 =	vld [tilespmem:s11+$0x2000];
	v5 =	vsel vm4, v7, v55;
	vm9 =	vgt.f32 v56, v1;
	v2 =	vsel vm8, v56, v2  }
0x23: {  	v7 =	vsel vm4, $0x2, v7;
	v57 =	vsel vm5, $0x3, v5;
	v2 =	vsel vm9, v1, v2  }
0x24: {  	v4 =	vsel vm11, v7, v57;
	v1 =	vsel vm9, v56, v1;
	vm10 =	vgt.f32 v58, v2  }
0x25: {  	v60 =	vld [tilespmem:s11+$0x2080];
	v7 =	vsel vm11, $0x3, v7;
	vm11 =	vgt.f32 v58, v1;
	v2 =	vsel vm10, v58, v2  }
0x26: {  	v3 =	vsel vm12, $0x4, v4;
	v2 =	vsel vm11, v1, v2  }
0x27: {  	v3 =	vsel vm13, v7, v3;
	v1 =	vsel vm11, v58, v1;
	vm12 =	vgt.f32 v59, v2  }
0x28: {  	v61 =	vld [tilespmem:s11+$0x2100];
	v7 =	vsel vm13, $0x4, v7;
	vm13 =	vgt.f32 v59, v1;
	v2 =	vsel vm12, v59, v2  }
0x29: {  	v3 =	vsel vm14, $0x5, v3;
	v2 =	vsel vm13, v1, v2  }
0x2a: {  	v3 =	vsel vm15, v7, v3;
	v1 =	vsel vm13, v59, v1;
	vm14 =	vgt.f32 v60, v2  }
0x2b: {  	v62 =	vld [tilespmem:s11+$0x2180];
	v7 =	vsel vm15, $0x5, v7;
	vm15 =	vgt.f32 v60, v1;
	v2 =	vsel vm14, v60, v2  }
0x2c: {  	v3 =	vsel vm8, $0x6, v3;
	v2 =	vsel vm15, v1, v2  }
0x2d: {  	v3 =	vsel vm9, v7, v3;
	v1 =	vsel vm15, v60, v1;
	vm8 =	vgt.f32 v61, v2  }
0x2e: {  	v63 =	vld [tilespmem:s11+$0x2200];
	v7 =	vsel vm9, $0x6, v7;
	vm9 =	vgt.f32 v61, v1;
	v2 =	vsel vm8, v61, v2  }
0x2f: {  	v3 =	vsel vm10, $0x7, v3;
	v2 =	vsel vm9, v1, v2  }
0x30: {  	v3 =	vsel vm11, v7, v3;
	v1 =	vsel vm9, v61, v1;
	vm10 =	vgt.f32 v62, v2  }
0x31: {  	v9 =	vld [tilespmem:s11+$0x2280];
	v7 =	vsel vm11, $0x7, v7;
	vm11 =	vgt.f32 v62, v1;
	v2 =	vsel vm10, v62, v2  }
0x32: {  	v3 =	vsel vm12, $0x8, v3;
	v2 =	vsel vm11, v1, v2  }
0x33: {  	v3 =	vsel vm13, v7, v3;
	v1 =	vsel vm11, v62, v1;
	vm12 =	vgt.f32 v63, v2  }
0x34: {  	v10 =	vld [tilespmem:s11+$0x2300];
	v7 =	vsel vm13, $0x8, v7;
	vm13 =	vgt.f32 v63, v1;
	v2 =	vsel vm12, v63, v2  }
0x35: {  	v3 =	vsel vm14, $0x9, v3;
	v2 =	vsel vm13, v1, v2  }
0x36: {  	v3 =	vsel vm15, v7, v3;
	v1 =	vsel vm13, v63, v1;
	vm14 =	vgt.f32 v9, v2  }
0x37: {  	v11 =	vld [tilespmem:s11+$0x2380];
	v7 =	vsel vm15, $0x9, v7;
	vm15 =	vgt.f32 v9, v1;
	v2 =	vsel vm14, v9, v2  }
0x38: {  	v3 =	vsel vm8, $0xA, v3;
	v2 =	vsel vm15, v1, v2  }
0x39: {  	v3 =	vsel vm9, v7, v3;
	v1 =	vsel vm15, v9, v1;
	vm8 =	vgt.f32 v10, v2  }
0x3a: {  	v12 =	vld [tilespmem:s11+$0x4000];
	v7 =	vsel vm9, $0xA, v7;
	vm9 =	vgt.f32 v10, v1;
	v2 =	vsel vm8, v10, v2  }
0x3b: {  	v3 =	vsel vm10, $0xB, v3;
	v2 =	vsel vm9, v1, v2  }
0x3c: {  	v3 =	vsel vm11, v7, v3;
	v1 =	vsel vm9, v10, v1;
	vm10 =	vgt.f32 v11, v2  }
0x3d: {  	v13 =	vld [tilespmem:s11+$0x4080];
	v7 =	vsel vm11, $0xB, v7;
	vm11 =	vgt.f32 v11, v1;
	v2 =	vsel vm10, v11, v2  }
0x3e: {  	v3 =	vsel vm12, $0xC, v3;
	v2 =	vsel vm11, v1, v2  }
0x3f: {  	v3 =	vsel vm13, v7, v3;
	v1 =	vsel vm11, v11, v1;
	vm12 =	vgt.f32 v12, v2  }
0x40: {  	v14 =	vld [tilespmem:s11+$0x4100];
	v7 =	vsel vm13, $0xC, v7;
	vm13 =	vgt.f32 v12, v1;
	v2 =	vsel vm12, v12, v2  }
0x41: {  	v3 =	vsel vm14, $0xD, v3;
	v2 =	vsel vm13, v1, v2  }
0x42: {  	v3 =	vsel vm15, v7, v3;
	v1 =	vsel vm13, v12, v1;
	vm14 =	vgt.f32 v13, v2  }
0x43: {  	v16 =	vld [tilespmem:s11+$0x4180];
	v7 =	vsel vm15, $0xD, v7;
	vm15 =	vgt.f32 v13, v1;
	v2 =	vsel vm14, v13, v2  }
0x44: {  	v3 =	vsel vm8, $0xE, v3;
	v2 =	vsel vm15, v1, v2  }
0x45: {  	v15 =	vsel vm9, $0xE, v7;
	v1 =	vsel vm15, v13, v1;
	vm8 =	vgt.f32 v14, v2  }
0x46: {  	v17 =	vld [tilespmem:s11+$0x4200];
	v3 =	vsel vm9, v7, v3;
	vm9 =	vgt.f32 v14, v1;
	v2 =	vsel vm8, v14, v2  }
0x47: {  	v3 =	vsel vm10, $0xF, v3;
	v5 =	vsel vm11, $0xF, v15;
	v2 =	vsel vm9, v1, v2  }
0x48: {  	v3 =	vsel vm11, v15, v3;
	v1 =	vsel vm9, v14, v1;
	vm10 =	vgt.f32 v16, v2  }
0x49: {  	v18 =	vld [tilespmem:s11+$0x4280];
	v3 =	vsel vm12, $0x10, v3;
	vm11 =	vgt.f32 v16, v1;
	v2 =	vsel vm10, v16, v2  }
0x4a: {  	v3 =	vsel vm13, v5, v3;
	v2 =	vsel vm11, v1, v2  }
0x4b: {  	v5 =	vsel vm13, $0x10, v5;
	v1 =	vsel vm11, v16, v1;
	vm12 =	vgt.f32 v17, v2  }
0x4c: {  	v19 =	vld [tilespmem:s11+$0x4300];
	v3 =	vsel vm14, $0x11, v3;
	vm13 =	vgt.f32 v17, v1;
	v2 =	vsel vm12, v17, v2  }
0x4d: {  	v3 =	vsel vm15, v5, v3;
	v2 =	vsel vm13, v1, v2  }
0x4e: {  	v5 =	vsel vm15, $0x11, v5;
	v1 =	vsel vm13, v17, v1;
	vm14 =	vgt.f32 v18, v2  }
0x4f: {  	v20 =	vld [tilespmem:s11+$0x4380];
	v3 =	vsel vm8, $0x12, v3;
	vm15 =	vgt.f32 v18, v1;
	v2 =	vsel vm14, v18, v2  }
0x50: {  	v3 =	vsel vm9, v5, v3;
	v2 =	vsel vm15, v1, v2  }
0x51: {  	v5 =	vsel vm9, $0x12, v5;
	v1 =	vsel vm15, v18, v1;
	vm8 =	vgt.f32 v19, v2  }
0x52: {  	v21 =	vld [tilespmem:s11+$0x6000];
	v3 =	vsel vm10, $0x13, v3;
	vm9 =	vgt.f32 v19, v1;
	v2 =	vsel vm8, v19, v2  }
0x53: {  	v3 =	vsel vm11, v5, v3;
	v2 =	vsel vm9, v1, v2  }
0x54: {  	v5 =	vsel vm11, $0x13, v5;
	v1 =	vsel vm9, v19, v1;
	vm10 =	vgt.f32 v20, v2  }
0x55: {  	v22 =	vld [tilespmem:s11+$0x6080];
	v3 =	vsel vm12, $0x14, v3;
	vm11 =	vgt.f32 v20, v1;
	v2 =	vsel vm10, v20, v2  }
0x56: {  	v3 =	vsel vm13, v5, v3;
	v2 =	vsel vm11, v1, v2  }
0x57: {  	v5 =	vsel vm13, $0x14, v5;
	v1 =	vsel vm11, v20, v1;
	vm12 =	vgt.f32 v21, v2  }
0x58: {  	v23 =	vld [tilespmem:s11+$0x6100];
	v3 =	vsel vm14, $0x15, v3;
	vm13 =	vgt.f32 v21, v1;
	v2 =	vsel vm12, v21, v2  }
0x59: {  	v3 =	vsel vm15, v5, v3;
	v2 =	vsel vm13, v1, v2  }
0x5a: {  	v5 =	vsel vm15, $0x15, v5;
	v1 =	vsel vm13, v21, v1;
	vm14 =	vgt.f32 v22, v2  }
0x5b: {  	v24 =	vld [tilespmem:s11+$0x6180];
	v3 =	vsel vm8, $0x16, v3;
	vm15 =	vgt.f32 v22, v1;
	v2 =	vsel vm14, v22, v2  }
0x5c: {  	v3 =	vsel vm9, v5, v3;
	v2 =	vsel vm15, v1, v2  }
0x5d: {  	v5 =	vsel vm9, $0x16, v5;
	v1 =	vsel vm15, v22, v1;
	vm8 =	vgt.f32 v23, v2  }
0x5e: {  	v25 =	vld [tilespmem:s11+$0x6200];
	v3 =	vsel vm10, $0x17, v3;
	vm9 =	vgt.f32 v23, v1;
	v2 =	vsel vm8, v23, v2  }
0x5f: {  	v3 =	vsel vm11, v5, v3;
	v2 =	vsel vm9, v1, v2  }
0x60: {  	v5 =	vsel vm11, $0x17, v5;
	v1 =	vsel vm9, v23, v1;
	vm10 =	vgt.f32 v24, v2  }
0x61: {  	v26 =	vld [tilespmem:s11+$0x6280];
	v3 =	vsel vm12, $0x18, v3;
	vm11 =	vgt.f32 v24, v1;
	v2 =	vsel vm10, v24, v2  }
0x62: {  	v3 =	vsel vm13, v5, v3;
	v2 =	vsel vm11, v1, v2  }
0x63: {  	v5 =	vsel vm13, $0x18, v5;
	v1 =	vsel vm11, v24, v1;
	vm12 =	vgt.f32 v25, v2  }
0x64: {  	v27 =	vld [tilespmem:s11+$0x6300];
	v3 =	vsel vm14, $0x19, v3;
	vm13 =	vgt.f32 v25, v1;
	v2 =	vsel vm12, v25, v2  }
0x65: {  	v3 =	vsel vm15, v5, v3;
	v2 =	vsel vm13, v1, v2  }
0x66: {  	v5 =	vsel vm15, $0x19, v5;
	v1 =	vsel vm13, v25, v1;
	vm14 =	vgt.f32 v26, v2  }
0x67: {  	v28 =	vld [tilespmem:s11+$0x6380];
	v3 =	vsel vm8, $0x1A, v3;
	vm15 =	vgt.f32 v26, v1;
	v2 =	vsel vm14, v26, v2  }
0x68: {  	v3 =	vsel vm9, v5, v3;
	v2 =	vsel vm15, v1, v2  }
0x69: {  	v5 =	vsel vm9, $0x1A, v5;
	v1 =	vsel vm15, v26, v1;
	vm8 =	vgt.f32 v27, v2  }
0x6a: {  	v29 =	vld [tilespmem:s11+$0x8000];
	v3 =	vsel vm10, $0x1B, v3;
	vm9 =	vgt.f32 v27, v1;
	v2 =	vsel vm8, v27, v2  }
0x6b: {  	v3 =	vsel vm11, v5, v3;
	v2 =	vsel vm9, v1, v2  }
0x6c: {  	v5 =	vsel vm11, $0x1B, v5;
	v1 =	vsel vm9, v27, v1;
	vm10 =	vgt.f32 v28, v2  }
0x6d: {  	v30 =	vld [tilespmem:s11+$0x8080];
	v3 =	vsel vm12, $0x1C, v3;
	vm11 =	vgt.f32 v28, v1;
	v2 =	vsel vm10, v28, v2  }
0x6e: {  	v3 =	vsel vm13, v5, v3;
	v2 =	vsel vm11, v1, v2  }
0x6f: {  	v5 =	vsel vm13, $0x1C, v5;
	v1 =	vsel vm11, v28, v1;
	vm12 =	vgt.f32 v29, v2  }
0x70: {  	v31 =	vld [tilespmem:s11+$0x8100];
	v3 =	vsel vm14, $0x1D, v3;
	vm13 =	vgt.f32 v29, v1;
	v2 =	vsel vm12, v29, v2  }
0x71: {  	v3 =	vsel vm15, v5, v3;
	v2 =	vsel vm13, v1, v2  }
0x72: {  	v5 =	vsel vm15, $0x1D, v5;
	v1 =	vsel vm13, v29, v1;
	vm14 =	vgt.f32 v30, v2  }
0x73: {  	v32 =	vld [tilespmem:s11+$0x8180];
	v3 =	vsel vm8, $0x1E, v3;
	vm15 =	vgt.f32 v30, v1;
	v2 =	vsel vm14, v30, v2  }
0x74: {  	v3 =	vsel vm9, v5, v3;
	v2 =	vsel vm15, v1, v2  }
0x75: {  	v5 =	vsel vm9, $0x1E, v5;
	v1 =	vsel vm15, v30, v1;
	vm8 =	vgt.f32 v31, v2  }
0x76: {  	v33 =	vld [tilespmem:s11+$0x8200];
	v3 =	vsel vm10, $0x1F, v3;
	vm9 =	vgt.f32 v31, v1;
	v2 =	vsel vm8, v31, v2  }
0x77: {  	v3 =	vsel vm11, v5, v3;
	v2 =	vsel vm9, v1, v2  }
0x78: {  	v5 =	vsel vm11, $0x1F, v5;
	v1 =	vsel vm9, v31, v1;
	vm10 =	vgt.f32 v32, v2  }
0x79: {  	v34 =	vld [tilespmem:s11+$0x8280];
	v3 =	vsel vm12, $0x20, v3;
	vm11 =	vgt.f32 v32, v1;
	v2 =	vsel vm10, v32, v2  }
0x7a: {  	v3 =	vsel vm13, v5, v3;
	v2 =	vsel vm11, v1, v2  }
0x7b: {  	v5 =	vsel vm13, $0x20, v5;
	v1 =	vsel vm11, v32, v1;
	vm12 =	vgt.f32 v33, v2  }
0x7c: {  	v35 =	vld [tilespmem:s11+$0x8300];
	v3 =	vsel vm14, $0x21, v3;
	vm13 =	vgt.f32 v33, v1;
	v2 =	vsel vm12, v33, v2  }
0x7d: {  	v3 =	vsel vm15, v5, v3;
	v2 =	vsel vm13, v1, v2  }
0x7e: {  	v5 =	vsel vm15, $0x21, v5;
	v1 =	vsel vm13, v33, v1;
	vm14 =	vgt.f32 v34, v2  }
0x7f: {  	v36 =	vld [tilespmem:s11+$0x8380];
	v3 =	vsel vm8, $0x22, v3;
	vm15 =	vgt.f32 v34, v1;
	v2 =	vsel vm14, v34, v2  }
0x80: {  	v3 =	vsel vm9, v5, v3;
	v2 =	vsel vm15, v1, v2  }
0x81: {  	v5 =	vsel vm9, $0x22, v5;
	v1 =	vsel vm15, v34, v1;
	vm8 =	vgt.f32 v35, v2  }
0x82: {  	v37 =	vld [tilespmem:s11+$0xA000];
	v3 =	vsel vm10, $0x23, v3;
	vm9 =	vgt.f32 v35, v1;
	v2 =	vsel vm8, v35, v2  }
0x83: {  	v3 =	vsel vm11, v5, v3;
	v2 =	vsel vm9, v1, v2  }
0x84: {  	v5 =	vsel vm11, $0x23, v5;
	v1 =	vsel vm9, v35, v1;
	vm10 =	vgt.f32 v36, v2  }
0x85: {  	v38 =	vld [tilespmem:s11+$0xA080];
	v3 =	vsel vm12, $0x24, v3;
	vm11 =	vgt.f32 v36, v1;
	v2 =	vsel vm10, v36, v2  }
0x86: {  	v3 =	vsel vm13, v5, v3;
	v2 =	vsel vm11, v1, v2  }
0x87: {  	v5 =	vsel vm13, $0x24, v5;
	v1 =	vsel vm11, v36, v1;
	vm12 =	vgt.f32 v37, v2  }
0x88: {  	v39 =	vld [tilespmem:s11+$0xA100];
	v3 =	vsel vm14, $0x25, v3;
	vm13 =	vgt.f32 v37, v1;
	v2 =	vsel vm12, v37, v2  }
0x89: {  	v3 =	vsel vm15, v5, v3;
	v2 =	vsel vm13, v1, v2  }
0x8a: {  	v5 =	vsel vm15, $0x25, v5;
	v1 =	vsel vm13, v37, v1;
	vm14 =	vgt.f32 v38, v2  }
0x8b: {  	v40 =	vld [tilespmem:s11+$0xA180];
	v3 =	vsel vm8, $0x26, v3;
	vm15 =	vgt.f32 v38, v1;
	v2 =	vsel vm14, v38, v2  }
0x8c: {  	v3 =	vsel vm9, v5, v3;
	v2 =	vsel vm15, v1, v2  }
0x8d: {  	v5 =	vsel vm9, $0x26, v5;
	v1 =	vsel vm15, v38, v1;
	vm8 =	vgt.f32 v39, v2  }
0x8e: {  	v41 =	vld [tilespmem:s11+$0xA200];
	v3 =	vsel vm10, $0x27, v3;
	vm9 =	vgt.f32 v39, v1;
	v2 =	vsel vm8, v39, v2  }
0x8f: {  	v3 =	vsel vm11, v5, v3;
	v2 =	vsel vm9, v1, v2  }
0x90: {  	v5 =	vsel vm11, $0x27, v5;
	v1 =	vsel vm9, v39, v1;
	vm10 =	vgt.f32 v40, v2  }
0x91: {  	v42 =	vld [tilespmem:s11+$0xA280];
	v3 =	vsel vm12, $0x28, v3;
	vm11 =	vgt.f32 v40, v1;
	v2 =	vsel vm10, v40, v2  }
0x92: {  	v3 =	vsel vm13, v5, v3;
	v5 =	vsel vm13, $0x28, v5;
	v2 =	vsel vm11, v1, v2  }
0x93: {  	v3 =	vsel vm14, $0x29, v3;
	v1 =	vsel vm11, v40, v1;
	vm12 =	vgt.f32 v41, v2  }
0x94: {  	v44 =	vld [tilespmem:s11+$0xA300];
	v3 =	vsel vm15, v5, v3;
	vm13 =	vgt.f32 v41, v1;
	v2 =	vsel vm12, v41, v2  }
0x95: {  	v8 =	vsel vm15, $0x29, v5;
	v3 =	vsel vm8, $0x2A, v3;
	v2 =	vsel vm13, v1, v2  }
0x96: {  	v43 =	vsel vm9, $0x2A, v8;
	v1 =	vsel vm13, v41, v1;
	vm14 =	vgt.f32 v42, v2  }
0x97: {  	v45 =	vld [tilespmem:s11+$0xA380];
	v3 =	vsel vm9, v8, v3;
	vm15 =	vgt.f32 v42, v1;
	v2 =	vsel vm14, v42, v2  }
0x98: {  	v3 =	vsel vm10, $0x2B, v3;
	v6 =	vsel vm11, $0x2B, v43;
	v2 =	vsel vm15, v1, v2  }
0x99: {  	v3 =	vsel vm11, v43, v3;
	v1 =	vsel vm15, v42, v1;
	vm4 =	vgt.f32 v44, v2  }
0x9a: {  	v46 =	vld [tilespmem:s11+$0xC000];
	v3 =	vsel vm12, $0x2C, v3;
	vm5 =	vgt.f32 v44, v1;
	v2 =	vsel vm4, v44, v2  }
0x9b: {  	v3 =	vsel vm13, v6, v3;
	v2 =	vsel vm5, v1, v2  }
0x9c: {  	v6 =	vsel vm13, $0x2C, v6;
	v1 =	vsel vm5, v44, v1;
	vm6 =	vgt.f32 v45, v2  }
0x9d: {  	v47 =	vld [tilespmem:s11+$0xC080];
	v3 =	vsel vm14, $0x2D, v3;
	vm7 =	vgt.f32 v45, v1;
	v2 =	vsel vm6, v45, v2  }
0x9e: {  	v3 =	vsel vm15, v6, v3;
	v2 =	vsel vm7, v1, v2  }
0x9f: {  	v6 =	vsel vm15, $0x2D, v6;
	v1 =	vsel vm7, v45, v1;
	vm8 =	vgt.f32 v46, v2  }
0xa0: {  	v48 =	vld [tilespmem:s11+$0xC100];
	v3 =	vsel vm4, $0x2E, v3;
	vm9 =	vgt.f32 v46, v1;
	v2 =	vsel vm8, v46, v2  }
0xa1: {  	v3 =	vsel vm5, v6, v3;
	v2 =	vsel vm9, v1, v2  }
0xa2: {  	v6 =	vsel vm5, $0x2E, v6;
	v1 =	vsel vm9, v46, v1;
	vm10 =	vgt.f32 v47, v2  }
0xa3: {  	v49 =	vld [tilespmem:s11+$0xC180];
	v3 =	vsel vm6, $0x2F, v3;
	vm11 =	vgt.f32 v47, v1;
	v2 =	vsel vm10, v47, v2  }
0xa4: {  	v3 =	vsel vm7, v6, v3;
	v6 =	vsel vm7, $0x2F, v6;
	v2 =	vsel vm11, v1, v2  }
0xa5: {  	v3 =	vsel vm8, $0x30, v3;
	v1 =	vsel vm11, v47, v1;
	vm12 =	vgt.f32 v48, v2  }
0xa6: {  	v50 =	vld [tilespmem:s11+$0xC200];
	v3 =	vsel vm9, v6, v3;
	vm13 =	vgt.f32 v48, v1;
	v2 =	vsel vm12, v48, v2  }
0xa7: {  	v6 =	vsel vm9, $0x30, v6;
	v3 =	vsel vm10, $0x31, v3;
	v2 =	vsel vm13, v1, v2  }
0xa8: {  	v51 =	vsel vm11, $0x31, v6;
	v1 =	vsel vm13, v48, v1;
	vm14 =	vgt.f32 v49, v2  }
0xa9: {  	v52 =	vld [tilespmem:s11+$0xC280];
	v3 =	vsel vm11, v6, v3;
	vm15 =	vgt.f32 v49, v1;
	v2 =	vsel vm14, v49, v2  }
0xaa: {  	v3 =	vsel vm12, $0x32, v3;
	v4 =	vsel vm13, $0x32, v51;
	v2 =	vsel vm15, v1, v2  }
0xab: {  	v3 =	vsel vm13, v51, v3;
	v1 =	vsel vm15, v49, v1;
	vm4 =	vgt.f32 v50, v2  }
0xac: {  	v53 =	vld [tilespmem:s11+$0xC300];
	v3 =	vsel vm14, $0x33, v3;
	vm5 =	vgt.f32 v50, v1;
	v2 =	vsel vm4, v50, v2  }
0xad: {  	v3 =	vsel vm15, v4, v3;
	v2 =	vsel vm5, v1, v2  }
0xae: {  	v4 =	vsel vm15, $0x33, v4;
	v1 =	vsel vm5, v50, v1;
	vm6 =	vgt.f32 v52, v2  }
0xaf: {  	v54 =	vld [tilespmem:s11+$0xC380];
	v3 =	vsel vm4, $0x34, v3;
	vm7 =	vgt.f32 v52, v1;
	v2 =	vsel vm6, v52, v2  }
0xb0: {  	v3 =	vsel vm5, v4, v3;
	v2 =	vsel vm7, v1, v2  }
0xb1: {  	v4 =	vsel vm5, $0x34, v4;
	v1 =	vsel vm7, v52, v1;
	vm8 =	vgt.f32 v53, v2  }
0xb2: {  	v55 =	vld [tilespmem:s11+$0xE000];
	v3 =	vsel vm6, $0x35, v3;
	vm9 =	vgt.f32 v53, v1;
	v2 =	vsel vm8, v53, v2  }
0xb3: {  	v3 =	vsel vm7, v4, v3;
	v2 =	vsel vm9, v1, v2  }
0xb4: {  	v4 =	vsel vm7, $0x35, v4;
	v1 =	vsel vm9, v53, v1;
	vm10 =	vgt.f32 v54, v2  }
0xb5: {  	v56 =	vld [tilespmem:s11+$0xE080];
	v3 =	vsel vm8, $0x36, v3;
	vm11 =	vgt.f32 v54, v1;
	v2 =	vsel vm10, v54, v2  }
0xb6: {  	v3 =	vsel vm9, v4, v3;
	v2 =	vsel vm11, v1, v2  }
0xb7: {  	v4 =	vsel vm9, $0x36, v4;
	v1 =	vsel vm11, v54, v1;
	vm12 =	vgt.f32 v55, v2  }
0xb8: {  	v57 =	vld [tilespmem:s11+$0xE100];
	v3 =	vsel vm10, $0x37, v3;
	vm13 =	vgt.f32 v55, v1;
	v2 =	vsel vm12, v55, v2  }
0xb9: {  	v3 =	vsel vm11, v4, v3;
	v2 =	vsel vm13, v1, v2  }
0xba: {  	v4 =	vsel vm11, $0x37, v4;
	v1 =	vsel vm13, v55, v1;
	vm14 =	vgt.f32 v56, v2  }
0xbb: {  	v58 =	vld [tilespmem:s11+$0xE180];
	v3 =	vsel vm12, $0x38, v3;
	vm15 =	vgt.f32 v56, v1;
	v2 =	vsel vm14, v56, v2  }
0xbc: {  	v3 =	vsel vm13, v4, v3;
	v2 =	vsel vm15, v1, v2  }
0xbd: {  	v4 =	vsel vm13, $0x38, v4;
	v1 =	vsel vm15, v56, v1;
	vm4 =	vgt.f32 v57, v2  }
0xbe: {  	v59 =	vld [tilespmem:s11+$0xE200];
	v3 =	vsel vm14, $0x39, v3;
	vm5 =	vgt.f32 v57, v1;
	v2 =	vsel vm4, v57, v2  }
0xbf: {  	v3 =	vsel vm15, v4, v3;
	v2 =	vsel vm5, v1, v2  }
0xc0: {  	v4 =	vsel vm15, $0x39, v4;
	v1 =	vsel vm5, v57, v1;
	vm6 =	vgt.f32 v58, v2  }
0xc1: {  	v60 =	vld [tilespmem:s11+$0xE280];
	v3 =	vsel vm4, $0x3A, v3;
	vm7 =	vgt.f32 v58, v1;
	v2 =	vsel vm6, v58, v2  }
0xc2: {  	v3 =	vsel vm5, v4, v3;
	v4 =	vsel vm5, $0x3A, v4;
	v2 =	vsel vm7, v1, v2  }
0xc3: {  	v3 =	vsel vm6, $0x3B, v3;
	v1 =	vsel vm7, v58, v1;
	vm8 =	vgt.f32 v59, v2  }
0xc4: {  	v61 =	vld [tilespmem:s11+$0xE300];
	v3 =	vsel vm7, v4, v3;
	vm9 =	vgt.f32 v59, v1;
	v2 =	vsel vm8, v59, v2  }
0xc5: {  	v4 =	vsel vm7, $0x3B, v4;
	v3 =	vsel vm8, $0x3C, v3;
	v2 =	vsel vm9, v1, v2  }
0xc6: {  	v3 =	vsel vm9, v4, v3;
	v1 =	vsel vm9, v59, v1;
	vm10 =	vgt.f32 v60, v2  }
0xc7: {  	v62 =	vld [tilespmem:s11+$0xE380];
	v4 =	vsel vm9, $0x3C, v4;
	vm11 =	vgt.f32 v60, v1;
	v2 =	vsel vm10, v60, v2  }
0xc8: {  	v3 =	vsel vm10, $0x3D, v3;
	v2 =	vsel vm11, v1, v2;
	v1 =	vsel vm11, v60, v1  }
0xc9: {  	v3 =	vsel vm11, v4, v3;
	v4 =	vsel vm11, $0x3D, v4;
	vm12 =	vgt.f32 v61, v2  }
0xca: {  	vm13 =	vgt.f32 v61, v1;
	v2 =	vsel vm12, v61, v2;
	v3 =	vsel vm12, $0x3E, v3  }
0xcb: {  	v63 =	vsel vm13, $0x3E, v4;
	v2 =	vsel vm13, v1, v2;
	v1 =	vsel vm13, v61, v1  }
0xcc: {  	s31 =	simm.s32 $0x10;
	s13 =	simm.s32 $0x80;
	v3 =	vsel vm13, v4, v3;
	vm14 =	vgt.f32 v62, v1;
	vm15 =	vgt.f32 v62, v2  }
0xcd: {  	s18 =	simm.s32 $0x20;
	s14 =	simm.s32 $0x10400;
	s16 =	sand.u32 $0x70, s31;
	v1 =	vsel vm15, $0x3F, v3;
	v2 =	vsel vm14, $0x3F, v63  }
0xce: {  	s17 =	sand.u32 $0x1C00, s13;
	s12 =	simm.s32 $0x10000;
	s11 =	simm.s32 $0x10410;
	v1 =	vsel vm14, v63, v1;
	[tilespmem:s8+$0x0] =	vst v2  }
.LBB2_2:
0xcf: {  	s17 =	sor.u32 s16, s17;
	s12 =	sadd.s32 $0x10, s12  }
0xd0: {  	[tilespmem:s14+$0x0] =	vst v1;
	s16 =	smov.u32 s18;
	s15 =	sadd.s32 $0x10, s18;
	s14 =	smov.u32 s11  }
0xd1: {  	p0 =	sne.s32 s18, $0x3F0;
	v1 =	vld [tilespmem:s17+$0x80]  }
0xd2: {  	v2 =	vld [tilespmem:s17+$0x0];
	_ =	sdelay $0x2  }
0xd3: {  	v3 =	vld [tilespmem:s17+$0x100]  }
0xd4: {  	vm0 =	vlt.f32 v1, $-Inf;
	vm1 =	vgt.f32 v1, $-Inf  }
0xd5: {  	vm2 =	vgt.f32 v1, v2;
	vm0 =	vmor vm1, vm0  }
0xd6: {  	vm1 =	vmneg vm2;
	v4 =	vnsel vm0, $0xFF800000, v1;
	v5 =	vld [tilespmem:s17+$0x180]  }
0xd7: {  	v4 =	vsel vm1, v4, v2;
	vm0 =	vmand vm1, vm0;
	v1 =	vsel vm1, v2, v1  }
0xd8: {  	v6 =	vsel vm2, $0x1, v0;
	v2 =	vsel vm0, $0x1, v0;
	vm0 =	vgt.f32 v3, v4  }
0xd9: {  	vm1 =	vgt.f32 v3, v1;
	v4 =	vsel vm0, v3, v4;
	v2 =	vsel vm0, $0x2, v2;
	v7 =	vld [tilespmem:s17+$0x200]  }
0xda: {  	v4 =	vsel vm1, v1, v4;
	v2 =	vsel vm1, v6, v2;
	v6 =	vsel vm1, $0x2, v6  }
0xdb: {  	v1 =	vsel vm1, v3, v1;
	vm0 =	vgt.f32 v5, v4  }
0xdc: {  	vm1 =	vgt.f32 v5, v1;
	v3 =	vsel vm0, v5, v4;
	v2 =	vsel vm0, $0x3, v2;
	v4 =	vld [tilespmem:s17+$0x280]  }
0xdd: {  	v3 =	vsel vm1, v1, v3;
	v2 =	vsel vm1, v6, v2;
	v1 =	vsel vm1, v5, v1  }
0xde: {  	v5 =	vsel vm1, $0x3, v6;
	vm0 =	vgt.f32 v7, v3  }
0xdf: {  	vm1 =	vgt.f32 v7, v1;
	v3 =	vsel vm0, v7, v3;
	v2 =	vsel vm0, $0x4, v2;
	v6 =	vld [tilespmem:s17+$0x300]  }
0xe0: {  	v3 =	vsel vm1, v1, v3;
	v2 =	vsel vm1, v5, v2  }
0xe1: {  	v1 =	vsel vm1, v7, v1;
	v5 =	vsel vm1, $0x4, v5;
	vm0 =	vgt.f32 v4, v3  }
0xe2: {  	vm1 =	vgt.f32 v4, v1;
	v3 =	vsel vm0, v4, v3;
	v2 =	vsel vm0, $0x5, v2;
	v7 =	vld [tilespmem:s17+$0x380]  }
0xe3: {  	v3 =	vsel vm1, v1, v3;
	v2 =	vsel vm1, v5, v2;
	v5 =	vsel vm1, $0x5, v5  }
0xe4: {  	v1 =	vsel vm1, v4, v1;
	vm0 =	vgt.f32 v6, v3  }
0xe5: {  	vm1 =	vgt.f32 v6, v1;
	v3 =	vsel vm0, v6, v3;
	v2 =	vsel vm0, $0x6, v2;
	v4 =	vld [tilespmem:s17+$0x2000]  }
0xe6: {  	v3 =	vsel vm1, v1, v3;
	v2 =	vsel vm1, v5, v2;
	v1 =	vsel vm1, v6, v1  }
0xe7: {  	v5 =	vsel vm1, $0x6, v5;
	vm0 =	vgt.f32 v7, v3  }
0xe8: {  	vm1 =	vgt.f32 v7, v1;
	v3 =	vsel vm0, v7, v3;
	v2 =	vsel vm0, $0x7, v2;
	v6 =	vld [tilespmem:s17+$0x2080]  }
0xe9: {  	v3 =	vsel vm1, v1, v3;
	v2 =	vsel vm1, v5, v2;
	v1 =	vsel vm1, v7, v1  }
0xea: {  	v5 =	vsel vm1, $0x7, v5;
	vm0 =	vgt.f32 v4, v3  }
0xeb: {  	vm1 =	vgt.f32 v4, v1;
	v3 =	vsel vm0, v4, v3;
	v2 =	vsel vm0, $0x8, v2;
	v7 =	vld [tilespmem:s17+$0x2100]  }
0xec: {  	v3 =	vsel vm1, v1, v3;
	v2 =	vsel vm1, v5, v2;
	v1 =	vsel vm1, v4, v1  }
0xed: {  	v4 =	vsel vm1, $0x8, v5;
	vm0 =	vgt.f32 v6, v3  }
0xee: {  	vm1 =	vgt.f32 v6, v1;
	v3 =	vsel vm0, v6, v3;
	v2 =	vsel vm0, $0x9, v2;
	v5 =	vld [tilespmem:s17+$0x2180]  }
0xef: {  	v3 =	vsel vm1, v1, v3;
	v2 =	vsel vm1, v4, v2;
	v1 =	vsel vm1, v6, v1  }
0xf0: {  	v4 =	vsel vm1, $0x9, v4;
	vm0 =	vgt.f32 v7, v3  }
0xf1: {  	vm1 =	vgt.f32 v7, v1;
	v3 =	vsel vm0, v7, v3;
	v2 =	vsel vm0, $0xA, v2;
	v6 =	vld [tilespmem:s17+$0x2200]  }
0xf2: {  	v3 =	vsel vm1, v1, v3;
	v1 =	vsel vm1, v7, v1;
	v7 =	vsel vm1, $0xA, v4  }
0xf3: {  	v2 =	vsel vm1, v4, v2;
	vm0 =	vgt.f32 v5, v3  }
0xf4: {  	vm1 =	vgt.f32 v5, v1;
	v3 =	vsel vm0, v5, v3;
	v2 =	vsel vm0, $0xB, v2;
	v4 =	vld [tilespmem:s17+$0x2280]  }
0xf5: {  	v3 =	vsel vm1, v1, v3;
	v2 =	vsel vm1, v7, v2;
	v1 =	vsel vm1, v5, v1  }
0xf6: {  	v5 =	vsel vm1, $0xB, v7;
	vm0 =	vgt.f32 v6, v3  }
0xf7: {  	vm1 =	vgt.f32 v6, v1;
	v3 =	vsel vm0, v6, v3;
	v2 =	vsel vm0, $0xC, v2;
	v7 =	vld [tilespmem:s17+$0x2300]  }
0xf8: {  	v3 =	vsel vm1, v1, v3;
	v2 =	vsel vm1, v5, v2;
	v1 =	vsel vm1, v6, v1  }
0xf9: {  	v5 =	vsel vm1, $0xC, v5;
	vm0 =	vgt.f32 v4, v3  }
0xfa: {  	vm1 =	vgt.f32 v4, v1;
	v3 =	vsel vm0, v4, v3;
	v2 =	vsel vm0, $0xD, v2;
	v6 =	vld [tilespmem:s17+$0x2380]  }
0xfb: {  	v3 =	vsel vm1, v1, v3;
	v2 =	vsel vm1, v5, v2;
	v1 =	vsel vm1, v4, v1  }
0xfc: {  	v4 =	vsel vm1, $0xD, v5;
	vm0 =	vgt.f32 v7, v3  }
0xfd: {  	vm1 =	vgt.f32 v7, v1;
	v3 =	vsel vm0, v7, v3;
	v2 =	vsel vm0, $0xE, v2;
	v5 =	vld [tilespmem:s17+$0x4000]  }
0xfe: {  	v3 =	vsel vm1, v1, v3;
	v2 =	vsel vm1, v4, v2  }
0xff: {  	v1 =	vsel vm1, v7, v1;
	vm0 =	vgt.f32 v6, v3  }
0x100: {  	vm2 =	vgt.f32 v6, v1;
	v3 =	vsel vm0, v6, v3;
	v2 =	vsel vm0, $0xF, v2;
	v7 =	vld [tilespmem:s17+$0x4080]  }
0x101: {  	v4 =	vsel vm1, $0xE, v4;
	v3 =	vsel vm2, v1, v3;
	v1 =	vsel vm2, v6, v1  }
0x102: {  	v2 =	vsel vm2, v4, v2;
	v4 =	vsel vm2, $0xF, v4;
	vm0 =	vgt.f32 v5, v3  }
0x103: {  	vm1 =	vgt.f32 v5, v1;
	v3 =	vsel vm0, v5, v3;
	v2 =	vsel vm0, $0x10, v2;
	v6 =	vld [tilespmem:s17+$0x4100]  }
0x104: {  	v3 =	vsel vm1, v1, v3;
	v2 =	vsel vm1, v4, v2;
	v1 =	vsel vm1, v5, v1  }
0x105: {  	v4 =	vsel vm1, $0x10, v4;
	vm0 =	vgt.f32 v7, v3  }
0x106: {  	vm1 =	vgt.f32 v7, v1;
	v3 =	vsel vm0, v7, v3;
	v2 =	vsel vm0, $0x11, v2;
	v5 =	vld [tilespmem:s17+$0x4180]  }
0x107: {  	v3 =	vsel vm1, v1, v3;
	v2 =	vsel vm1, v4, v2  }
0x108: {  	v1 =	vsel vm1, v7, v1;
	v4 =	vsel vm1, $0x11, v4;
	vm0 =	vgt.f32 v6, v3  }
0x109: {  	vm1 =	vgt.f32 v6, v1;
	v3 =	vsel vm0, v6, v3;
	v2 =	vsel vm0, $0x12, v2;
	v7 =	vld [tilespmem:s17+$0x4200]  }
0x10a: {  	v3 =	vsel vm1, v1, v3;
	v2 =	vsel vm1, v4, v2;
	v4 =	vsel vm1, $0x12, v4  }
0x10b: {  	v1 =	vsel vm1, v6, v1;
	vm0 =	vgt.f32 v5, v3  }
0x10c: {  	vm1 =	vgt.f32 v5, v1;
	v3 =	vsel vm0, v5, v3;
	v2 =	vsel vm0, $0x13, v2;
	v6 =	vld [tilespmem:s17+$0x4280]  }
0x10d: {  	v3 =	vsel vm1, v1, v3;
	v2 =	vsel vm1, v4, v2;
	v1 =	vsel vm1, v5, v1  }
0x10e: {  	v4 =	vsel vm1, $0x13, v4;
	vm0 =	vgt.f32 v7, v3  }
0x10f: {  	vm1 =	vgt.f32 v7, v1;
	v3 =	vsel vm0, v7, v3;
	v2 =	vsel vm0, $0x14, v2;
	v5 =	vld [tilespmem:s17+$0x4300]  }
0x110: {  	v3 =	vsel vm1, v1, v3;
	v1 =	vsel vm1, v7, v1;
	v7 =	vsel vm1, $0x14, v4  }
0x111: {  	v2 =	vsel vm1, v4, v2;
	vm0 =	vgt.f32 v6, v3  }
0x112: {  	vm1 =	vgt.f32 v6, v1;
	v3 =	vsel vm0, v6, v3;
	v2 =	vsel vm0, $0x15, v2;
	v4 =	vld [tilespmem:s17+$0x4380]  }
0x113: {  	v3 =	vsel vm1, v1, v3;
	v2 =	vsel vm1, v7, v2;
	v1 =	vsel vm1, v6, v1  }
0x114: {  	v6 =	vsel vm1, $0x15, v7;
	vm0 =	vgt.f32 v5, v3  }
0x115: {  	vm1 =	vgt.f32 v5, v1;
	v3 =	vsel vm0, v5, v3;
	v2 =	vsel vm0, $0x16, v2;
	v7 =	vld [tilespmem:s17+$0x6000]  }
0x116: {  	v3 =	vsel vm1, v1, v3;
	v2 =	vsel vm1, v6, v2;
	v1 =	vsel vm1, v5, v1  }
0x117: {  	v5 =	vsel vm1, $0x16, v6;
	vm0 =	vgt.f32 v4, v3  }
0x118: {  	vm1 =	vgt.f32 v4, v1;
	v3 =	vsel vm0, v4, v3;
	v2 =	vsel vm0, $0x17, v2;
	v6 =	vld [tilespmem:s17+$0x6080]  }
0x119: {  	v3 =	vsel vm1, v1, v3;
	v2 =	vsel vm1, v5, v2  }
0x11a: {  	v1 =	vsel vm1, v4, v1;
	v4 =	vsel vm1, $0x17, v5;
	vm0 =	vgt.f32 v7, v3  }
0x11b: {  	vm1 =	vgt.f32 v7, v1;
	v3 =	vsel vm0, v7, v3;
	v2 =	vsel vm0, $0x18, v2;
	v5 =	vld [tilespmem:s17+$0x6100]  }
0x11c: {  	v3 =	vsel vm1, v1, v3;
	v2 =	vsel vm1, v4, v2;
	v4 =	vsel vm1, $0x18, v4  }
0x11d: {  	v1 =	vsel vm1, v7, v1;
	vm0 =	vgt.f32 v6, v3  }
0x11e: {  	vm1 =	vgt.f32 v6, v1;
	v3 =	vsel vm0, v6, v3;
	v2 =	vsel vm0, $0x19, v2;
	v7 =	vld [tilespmem:s17+$0x6180]  }
0x11f: {  	v3 =	vsel vm1, v1, v3;
	v2 =	vsel vm1, v4, v2;
	v1 =	vsel vm1, v6, v1  }
0x120: {  	v4 =	vsel vm1, $0x19, v4;
	vm0 =	vgt.f32 v5, v3  }
0x121: {  	vm1 =	vgt.f32 v5, v1;
	v3 =	vsel vm0, v5, v3;
	v2 =	vsel vm0, $0x1A, v2;
	v6 =	vld [tilespmem:s17+$0x6200]  }
0x122: {  	v3 =	vsel vm1, v1, v3;
	v2 =	vsel vm1, v4, v2;
	v1 =	vsel vm1, v5, v1  }
0x123: {  	vm0 =	vgt.f32 v7, v3  }
0x124: {  	vm2 =	vgt.f32 v7, v1;
	v3 =	vsel vm0, v7, v3;
	v2 =	vsel vm0, $0x1B, v2;
	v5 =	vld [tilespmem:s17+$0x6280]  }
0x125: {  	v4 =	vsel vm1, $0x1A, v4;
	v3 =	vsel vm2, v1, v3;
	v1 =	vsel vm2, v7, v1  }
0x126: {  	v2 =	vsel vm2, v4, v2;
	v4 =	vsel vm2, $0x1B, v4;
	vm0 =	vgt.f32 v6, v3  }
0x127: {  	vm1 =	vgt.f32 v6, v1;
	v3 =	vsel vm0, v6, v3;
	v2 =	vsel vm0, $0x1C, v2;
	v7 =	vld [tilespmem:s17+$0x6300]  }
0x128: {  	v3 =	vsel vm1, v1, v3;
	v2 =	vsel vm1, v4, v2;
	v4 =	vsel vm1, $0x1C, v4  }
0x129: {  	v1 =	vsel vm1, v6, v1;
	vm0 =	vgt.f32 v5, v3  }
0x12a: {  	vm1 =	vgt.f32 v5, v1;
	v3 =	vsel vm0, v5, v3;
	v2 =	vsel vm0, $0x1D, v2;
	v6 =	vld [tilespmem:s17+$0x6380]  }
0x12b: {  	v3 =	vsel vm1, v1, v3;
	v2 =	vsel vm1, v4, v2  }
0x12c: {  	v1 =	vsel vm1, v5, v1;
	v4 =	vsel vm1, $0x1D, v4;
	vm0 =	vgt.f32 v7, v3  }
0x12d: {  	vm1 =	vgt.f32 v7, v1;
	v3 =	vsel vm0, v7, v3;
	v2 =	vsel vm0, $0x1E, v2;
	v5 =	vld [tilespmem:s17+$0x8000]  }
0x12e: {  	v3 =	vsel vm1, v1, v3;
	v2 =	vsel vm1, v4, v2;
	v1 =	vsel vm1, v7, v1  }
0x12f: {  	v4 =	vsel vm1, $0x1E, v4;
	vm0 =	vgt.f32 v6, v1;
	vm1 =	vgt.f32 v6, v3  }
0x130: {  	v3 =	vsel vm1, v6, v3;
	v2 =	vsel vm1, $0x1F, v2;
	v7 =	vsel vm0, $0x1F, v4;
	v8 =	vld [tilespmem:s17+$0x8080]  }
0x131: {  	v3 =	vsel vm0, v1, v3;
	v2 =	vsel vm0, v4, v2;
	v1 =	vsel vm0, v6, v1  }
0x132: {  	vm0 =	vgt.f32 v5, v3  }
0x133: {  	vm1 =	vgt.f32 v5, v1;
	v3 =	vsel vm0, v5, v3;
	v2 =	vsel vm0, $0x20, v2;
	v4 =	vld [tilespmem:s17+$0x8100]  }
0x134: {  	v3 =	vsel vm1, v1, v3;
	v2 =	vsel vm1, v7, v2;
	v1 =	vsel vm1, v5, v1  }
0x135: {  	vm0 =	vgt.f32 v8, v3  }
0x136: {  	vm2 =	vgt.f32 v8, v1;
	v3 =	vsel vm0, v8, v3;
	v2 =	vsel vm0, $0x21, v2;
	v5 =	vld [tilespmem:s17+$0x8180]  }
0x137: {  	v6 =	vsel vm1, $0x20, v7;
	v3 =	vsel vm2, v1, v3;
	v1 =	vsel vm2, v8, v1  }
0x138: {  	v2 =	vsel vm2, v6, v2;
	v6 =	vsel vm2, $0x21, v6;
	vm0 =	vgt.f32 v4, v3  }
0x139: {  	vm1 =	vgt.f32 v4, v1;
	v3 =	vsel vm0, v4, v3;
	v2 =	vsel vm0, $0x22, v2;
	v7 =	vld [tilespmem:s17+$0x8200]  }
0x13a: {  	v3 =	vsel vm1, v1, v3;
	v2 =	vsel vm1, v6, v2;
	v1 =	vsel vm1, v4, v1  }
0x13b: {  	v4 =	vsel vm1, $0x22, v6;
	vm0 =	vgt.f32 v5, v3  }
0x13c: {  	vm1 =	vgt.f32 v5, v1;
	v3 =	vsel vm0, v5, v3;
	v2 =	vsel vm0, $0x23, v2;
	v6 =	vld [tilespmem:s17+$0x8280]  }
0x13d: {  	v3 =	vsel vm1, v1, v3;
	v2 =	vsel vm1, v4, v2  }
0x13e: {  	v1 =	vsel vm1, v5, v1;
	vm0 =	vgt.f32 v7, v3  }
0x13f: {  	v4 =	vsel vm1, $0x23, v4;
	vm1 =	vgt.f32 v7, v1;
	v3 =	vsel vm0, v7, v3;
	v5 =	vld [tilespmem:s17+$0x8300]  }
0x140: {  	v2 =	vsel vm0, $0x24, v2;
	v3 =	vsel vm1, v1, v3;
	v1 =	vsel vm1, v7, v1  }
0x141: {  	v2 =	vsel vm1, v4, v2;
	v4 =	vsel vm1, $0x24, v4;
	vm0 =	vgt.f32 v6, v3  }
0x142: {  	vm1 =	vgt.f32 v6, v1;
	v3 =	vsel vm0, v6, v3;
	v2 =	vsel vm0, $0x25, v2;
	v7 =	vld [tilespmem:s17+$0x8380]  }
0x143: {  	v3 =	vsel vm1, v1, v3;
	v2 =	vsel vm1, v4, v2;
	v1 =	vsel vm1, v6, v1  }
0x144: {  	v4 =	vsel vm1, $0x25, v4;
	vm0 =	vgt.f32 v5, v3  }
0x145: {  	vm1 =	vgt.f32 v5, v1;
	v3 =	vsel vm0, v5, v3;
	v2 =	vsel vm0, $0x26, v2;
	v6 =	vld [tilespmem:s17+$0xA000]  }
0x146: {  	v3 =	vsel vm1, v1, v3;
	v1 =	vsel vm1, v5, v1;
	v5 =	vsel vm1, $0x26, v4  }
0x147: {  	v2 =	vsel vm1, v4, v2;
	vm0 =	vgt.f32 v7, v3  }
0x148: {  	vm1 =	vgt.f32 v7, v1;
	v3 =	vsel vm0, v7, v3;
	v2 =	vsel vm0, $0x27, v2;
	v4 =	vld [tilespmem:s17+$0xA080]  }
0x149: {  	v3 =	vsel vm1, v1, v3;
	v2 =	vsel vm1, v5, v2;
	v1 =	vsel vm1, v7, v1  }
0x14a: {  	v5 =	vsel vm1, $0x27, v5;
	vm0 =	vgt.f32 v6, v3  }
0x14b: {  	vm1 =	vgt.f32 v6, v1;
	v3 =	vsel vm0, v6, v3;
	v2 =	vsel vm0, $0x28, v2;
	v7 =	vld [tilespmem:s17+$0xA100]  }
0x14c: {  	v3 =	vsel vm1, v1, v3;
	v2 =	vsel vm1, v5, v2  }
0x14d: {  	v1 =	vsel vm1, v6, v1;
	vm0 =	vgt.f32 v4, v3  }
0x14e: {  	vm2 =	vgt.f32 v4, v1;
	v3 =	vsel vm0, v4, v3;
	v6 =	vld [tilespmem:s17+$0xA180]  }
0x14f: {  	v5 =	vsel vm1, $0x28, v5;
	v3 =	vsel vm2, v1, v3  }
0x150: {  	v1 =	vsel vm2, v4, v1;
	v4 =	vsel vm2, $0x29, v5;
	vm1 =	vgt.f32 v7, v3  }
0x151: {  	v2 =	vsel vm0, $0x29, v2;
	vm0 =	vgt.f32 v7, v1;
	v3 =	vsel vm1, v7, v3;
	v8 =	vld [tilespmem:s17+$0xA200]  }
0x152: {  	v2 =	vsel vm2, v5, v2;
	v5 =	vsel vm0, $0x2A, v4;
	v3 =	vsel vm0, v1, v3  }
0x153: {  	v2 =	vsel vm1, $0x2A, v2;
	v1 =	vsel vm0, v7, v1;
	vm1 =	vgt.f32 v6, v3  }
0x154: {  	v2 =	vsel vm0, v4, v2;
	vm0 =	vgt.f32 v6, v1;
	v3 =	vsel vm1, v6, v3;
	v4 =	vld [tilespmem:s17+$0xA280]  }
0x155: {  	v2 =	vsel vm1, $0x2B, v2;
	v3 =	vsel vm0, v1, v3;
	v1 =	vsel vm0, v6, v1  }
0x156: {  	v2 =	vsel vm0, v5, v2;
	v5 =	vsel vm0, $0x2B, v5;
	vm0 =	vgt.f32 v8, v3  }
0x157: {  	vm1 =	vgt.f32 v8, v1;
	v3 =	vsel vm0, v8, v3;
	v2 =	vsel vm0, $0x2C, v2;
	v6 =	vld [tilespmem:s17+$0xA300]  }
0x158: {  	v3 =	vsel vm1, v1, v3;
	v2 =	vsel vm1, v5, v2;
	v1 =	vsel vm1, v8, v1  }
0x159: {  	v5 =	vsel vm1, $0x2C, v5;
	vm0 =	vgt.f32 v4, v3  }
0x15a: {  	vm1 =	vgt.f32 v4, v1;
	v3 =	vsel vm0, v4, v3;
	v2 =	vsel vm0, $0x2D, v2;
	v7 =	vld [tilespmem:s17+$0xA380]  }
0x15b: {  	v3 =	vsel vm1, v1, v3;
	v2 =	vsel vm1, v5, v2;
	v1 =	vsel vm1, v4, v1  }
0x15c: {  	v4 =	vsel vm1, $0x2D, v5;
	vm0 =	vgt.f32 v6, v3  }
0x15d: {  	vm1 =	vgt.f32 v6, v1;
	v3 =	vsel vm0, v6, v3;
	v2 =	vsel vm0, $0x2E, v2;
	v5 =	vld [tilespmem:s17+$0xC000]  }
0x15e: {  	v3 =	vsel vm1, v1, v3;
	v2 =	vsel vm1, v4, v2;
	v1 =	vsel vm1, v6, v1  }
0x15f: {  	v4 =	vsel vm1, $0x2E, v4;
	vm0 =	vgt.f32 v7, v3  }
0x160: {  	vm1 =	vgt.f32 v7, v1;
	v3 =	vsel vm0, v7, v3;
	v2 =	vsel vm0, $0x2F, v2;
	v6 =	vld [tilespmem:s17+$0xC080]  }
0x161: {  	v3 =	vsel vm1, v1, v3;
	v2 =	vsel vm1, v4, v2;
	v4 =	vsel vm1, $0x2F, v4  }
0x162: {  	v1 =	vsel vm1, v7, v1;
	vm0 =	vgt.f32 v5, v3  }
0x163: {  	vm1 =	vgt.f32 v5, v1;
	v3 =	vsel vm0, v5, v3;
	v2 =	vsel vm0, $0x30, v2;
	v7 =	vld [tilespmem:s17+$0xC100]  }
0x164: {  	v3 =	vsel vm1, v1, v3  }
0x165: {  	v2 =	vsel vm1, v4, v2;
	v1 =	vsel vm1, v5, v1;
	vm0 =	vgt.f32 v6, v3  }
0x166: {  	vm2 =	vgt.f32 v6, v1;
	v3 =	vsel vm0, v6, v3;
	v2 =	vsel vm0, $0x31, v2;
	v5 =	vld [tilespmem:s17+$0xC180]  }
0x167: {  	v4 =	vsel vm1, $0x30, v4;
	v3 =	vsel vm2, v1, v3;
	v1 =	vsel vm2, v6, v1  }
0x168: {  	v2 =	vsel vm2, v4, v2;
	vm0 =	vgt.f32 v7, v3  }
0x169: {  	vm1 =	vgt.f32 v7, v1;
	v3 =	vsel vm0, v7, v3;
	v2 =	vsel vm0, $0x32, v2;
	v6 =	vld [tilespmem:s17+$0xC200]  }
0x16a: {  	v4 =	vsel vm2, $0x31, v4;
	v3 =	vsel vm1, v1, v3  }
0x16b: {  	v2 =	vsel vm1, v4, v2;
	v1 =	vsel vm1, v7, v1;
	vm0 =	vgt.f32 v5, v3  }
0x16c: {  	vm2 =	vgt.f32 v5, v1;
	v3 =	vsel vm0, v5, v3;
	v2 =	vsel vm0, $0x33, v2;
	v7 =	vld [tilespmem:s17+$0xC280]  }
0x16d: {  	v4 =	vsel vm1, $0x32, v4;
	v3 =	vsel vm2, v1, v3  }
0x16e: {  	v2 =	vsel vm2, v4, v2;
	v1 =	vsel vm2, v5, v1;
	vm0 =	vgt.f32 v6, v3  }
0x16f: {  	vm1 =	vgt.f32 v6, v1;
	v3 =	vsel vm0, v6, v3;
	v2 =	vsel vm0, $0x34, v2;
	v5 =	vld [tilespmem:s17+$0xC300]  }
0x170: {  	v4 =	vsel vm2, $0x33, v4;
	v3 =	vsel vm1, v1, v3  }
0x171: {  	v2 =	vsel vm1, v4, v2;
	v1 =	vsel vm1, v6, v1;
	vm0 =	vgt.f32 v7, v3  }
0x172: {  	vm2 =	vgt.f32 v7, v1;
	v3 =	vsel vm0, v7, v3;
	v2 =	vsel vm0, $0x35, v2;
	v6 =	vld [tilespmem:s17+$0xC380]  }
0x173: {  	v4 =	vsel vm1, $0x34, v4;
	v3 =	vsel vm2, v1, v3  }
0x174: {  	v2 =	vsel vm2, v4, v2;
	v1 =	vsel vm2, v7, v1;
	vm0 =	vgt.f32 v5, v3  }
0x175: {  	vm1 =	vgt.f32 v5, v1;
	v3 =	vsel vm0, v5, v3;
	v2 =	vsel vm0, $0x36, v2;
	v7 =	vld [tilespmem:s17+$0xE000]  }
0x176: {  	v4 =	vsel vm2, $0x35, v4;
	v3 =	vsel vm1, v1, v3  }
0x177: {  	v2 =	vsel vm1, v4, v2;
	v1 =	vsel vm1, v5, v1;
	vm0 =	vgt.f32 v6, v3  }
0x178: {  	vm2 =	vgt.f32 v6, v1;
	v3 =	vsel vm0, v6, v3;
	v2 =	vsel vm0, $0x37, v2;
	v5 =	vld [tilespmem:s17+$0xE080]  }
0x179: {  	v4 =	vsel vm1, $0x36, v4;
	v3 =	vsel vm2, v1, v3  }
0x17a: {  	v2 =	vsel vm2, v4, v2;
	v1 =	vsel vm2, v6, v1;
	vm0 =	vgt.f32 v7, v3  }
0x17b: {  	vm1 =	vgt.f32 v7, v1;
	v3 =	vsel vm0, v7, v3;
	v2 =	vsel vm0, $0x38, v2;
	v6 =	vld [tilespmem:s17+$0xE100]  }
0x17c: {  	v4 =	vsel vm2, $0x37, v4;
	v3 =	vsel vm1, v1, v3;
	v1 =	vsel vm1, v7, v1  }
0x17d: {  	v2 =	vsel vm1, v4, v2;
	v4 =	vsel vm1, $0x38, v4;
	vm0 =	vgt.f32 v5, v3  }
0x17e: {  	vm1 =	vgt.f32 v5, v1;
	v3 =	vsel vm0, v5, v3;
	v2 =	vsel vm0, $0x39, v2;
	v7 =	vld [tilespmem:s17+$0xE180]  }
0x17f: {  	v3 =	vsel vm1, v1, v3;
	v2 =	vsel vm1, v4, v2  }
0x180: {  	v1 =	vsel vm1, v5, v1;
	vm0 =	vgt.f32 v6, v3  }
0x181: {  	vm2 =	vgt.f32 v6, v1;
	v3 =	vsel vm0, v6, v3;
	v2 =	vsel vm0, $0x3A, v2;
	v5 =	vld [tilespmem:s17+$0xE200]  }
0x182: {  	v4 =	vsel vm1, $0x39, v4;
	v3 =	vsel vm2, v1, v3  }
0x183: {  	v2 =	vsel vm2, v4, v2;
	v1 =	vsel vm2, v6, v1;
	vm0 =	vgt.f32 v7, v3  }
0x184: {  	vm1 =	vgt.f32 v7, v1;
	v3 =	vsel vm0, v7, v3;
	v2 =	vsel vm0, $0x3B, v2;
	v6 =	vld [tilespmem:s17+$0xE280]  }
0x185: {  	v4 =	vsel vm2, $0x3A, v4;
	v3 =	vsel vm1, v1, v3  }
0x186: {  	v2 =	vsel vm1, v4, v2;
	v1 =	vsel vm1, v7, v1;
	vm0 =	vgt.f32 v5, v3  }
0x187: {  	vm2 =	vgt.f32 v5, v1;
	v3 =	vsel vm0, v5, v3;
	v2 =	vsel vm0, $0x3C, v2;
	v7 =	vld [tilespmem:s17+$0xE300]  }
0x188: {  	v4 =	vsel vm1, $0x3B, v4;
	v3 =	vsel vm2, v1, v3  }
0x189: {  	v2 =	vsel vm2, v4, v2;
	v1 =	vsel vm2, v5, v1;
	vm0 =	vgt.f32 v6, v3  }
0x18a: {  	vm1 =	vgt.f32 v6, v1;
	v3 =	vsel vm0, v6, v3;
	v2 =	vsel vm0, $0x3D, v2;
	v5 =	vld [tilespmem:s17+$0xE380]  }
0x18b: {  	v4 =	vsel vm2, $0x3C, v4;
	v3 =	vsel vm1, v1, v3;
	v1 =	vsel vm1, v6, v1  }
0x18c: {  	v2 =	vsel vm1, v4, v2;
	v4 =	vsel vm1, $0x3D, v4;
	vm0 =	vgt.f32 v7, v3  }
.Ltmp0:
0x18d: {  	vm1 =	vgt.f32 v7, v1;
	v3 =	vsel vm0, v7, v3;
	v2 =	vsel vm0, $0x3E, v2;
	(pc) =	sbr.rel @p0 .LBB2_2-.Ltmp0, $4  }
0x18e: {  	v6 =	vsel vm1, $0x3E, v4;
	v3 =	vsel vm1, v1, v3;
	v1 =	vsel vm1, v7, v1  }
0x18f: {  	v2 =	vsel vm1, v4, v2;
	vm0 =	vgt.f32 v5, v1;
	vm1 =	vgt.f32 v5, v3  }
0x190: {  	s13 =	sadd.s32 $0x80, s13;
	s11 =	sadd.s32 $0x10, s11;
	v1 =	vsel vm1, $0x3F, v2;
	v2 =	vsel vm0, $0x3F, v6  }
0x191: {  	s16 =	sand.u32 $0x70, s16;
	s18 =	smov.u32 s15;
	s17 =	sand.u32 $0x1C00, s13;
	v1 =	vsel vm0, v6, v1;
	[tilespmem:s12+$0x0] =	vst v2  }
0x192: {  	s13 =	sor.u32 s16, s17;
	[tilespmem:s14+$0x0] =	vst v1  }
0x193: {  	v1 =	vld [tilespmem:s13+$0x80]  }
0x194: {  	v2 =	vld [tilespmem:s13+$0x0];
	_ =	sdelay $0x2  }
0x195: {  	v3 =	vld [tilespmem:s13+$0x100]  }
0x196: {  	vm0 =	vlt.f32 v1, $-Inf;
	vm1 =	vgt.f32 v1, $-Inf  }
0x197: {  	vm2 =	vgt.f32 v1, v2;
	vm0 =	vmor vm1, vm0  }
0x198: {  	v5 =	vld [tilespmem:s13+$0x180];
	vm10 =	vmneg vm2;
	v4 =	vnsel vm0, $0xFF800000, v1  }
0x199: {  	v4 =	vsel vm10, v4, v2  }
0x19a: {  	v1 =	vsel vm10, v2, v1;
	vm3 =	vgt.f32 v3, v4  }
0x19b: {  	v54 =	vld [tilespmem:s13+$0x200];
	vm4 =	vgt.f32 v3, v1;
	v2 =	vsel vm3, v3, v4  }
0x19c: {  	v2 =	vsel vm4, v1, v2  }
0x19d: {  	v1 =	vsel vm4, v3, v1;
	vm5 =	vgt.f32 v5, v2  }
0x19e: {  	v3 =	vld [tilespmem:s13+$0x280];
	vm11 =	vgt.f32 v5, v1;
	v2 =	vsel vm5, v5, v2  }
0x19f: {  	v2 =	vsel vm11, v1, v2  }
0x1a0: {  	v1 =	vsel vm11, v5, v1;
	vm12 =	vgt.f32 v54, v2  }
0x1a1: {  	v56 =	vld [tilespmem:s13+$0x300];
	vm13 =	vgt.f32 v54, v1;
	v2 =	vsel vm12, v54, v2  }
0x1a2: {  	v2 =	vsel vm13, v1, v2  }
0x1a3: {  	v1 =	vsel vm13, v54, v1;
	vm14 =	vgt.f32 v3, v2  }
0x1a4: {  	v58 =	vld [tilespmem:s13+$0x380];
	vm0 =	vmand vm10, vm0;
	vm15 =	vgt.f32 v3, v1;
	v2 =	vsel vm14, v3, v2  }
0x1a5: {  	v7 =	vsel vm2, $0x1, v0;
	v6 =	vsel vm0, $0x1, v0;
	v2 =	vsel vm15, v1, v2  }
0x1a6: {  	v55 =	vsel vm3, $0x2, v6;
	v1 =	vsel vm15, v3, v1;
	vm8 =	vgt.f32 v56, v2  }
0x1a7: {  	v59 =	vld [tilespmem:s13+$0x2000];
	v5 =	vsel vm4, v7, v55;
	vm9 =	vgt.f32 v56, v1;
	v2 =	vsel vm8, v56, v2  }
0x1a8: {  	v7 =	vsel vm4, $0x2, v7;
	v57 =	vsel vm5, $0x3, v5;
	v2 =	vsel vm9, v1, v2  }
0x1a9: {  	v4 =	vsel vm11, v7, v57;
	v1 =	vsel vm9, v56, v1;
	vm10 =	vgt.f32 v58, v2  }
0x1aa: {  	v60 =	vld [tilespmem:s13+$0x2080];
	v7 =	vsel vm11, $0x3, v7;
	vm11 =	vgt.f32 v58, v1;
	v2 =	vsel vm10, v58, v2  }
0x1ab: {  	v3 =	vsel vm12, $0x4, v4;
	v2 =	vsel vm11, v1, v2  }
0x1ac: {  	v3 =	vsel vm13, v7, v3;
	v1 =	vsel vm11, v58, v1;
	vm12 =	vgt.f32 v59, v2  }
0x1ad: {  	v61 =	vld [tilespmem:s13+$0x2100];
	v7 =	vsel vm13, $0x4, v7;
	vm13 =	vgt.f32 v59, v1;
	v2 =	vsel vm12, v59, v2  }
0x1ae: {  	v3 =	vsel vm14, $0x5, v3;
	v2 =	vsel vm13, v1, v2  }
0x1af: {  	v3 =	vsel vm15, v7, v3;
	v1 =	vsel vm13, v59, v1;
	vm14 =	vgt.f32 v60, v2  }
0x1b0: {  	v62 =	vld [tilespmem:s13+$0x2180];
	v7 =	vsel vm15, $0x5, v7;
	vm15 =	vgt.f32 v60, v1;
	v2 =	vsel vm14, v60, v2  }
0x1b1: {  	v3 =	vsel vm8, $0x6, v3;
	v2 =	vsel vm15, v1, v2  }
0x1b2: {  	v3 =	vsel vm9, v7, v3;
	v1 =	vsel vm15, v60, v1;
	vm8 =	vgt.f32 v61, v2  }
0x1b3: {  	v63 =	vld [tilespmem:s13+$0x2200];
	v7 =	vsel vm9, $0x6, v7;
	vm9 =	vgt.f32 v61, v1;
	v2 =	vsel vm8, v61, v2  }
0x1b4: {  	v3 =	vsel vm10, $0x7, v3;
	v2 =	vsel vm9, v1, v2  }
0x1b5: {  	v3 =	vsel vm11, v7, v3;
	v1 =	vsel vm9, v61, v1;
	vm10 =	vgt.f32 v62, v2  }
0x1b6: {  	v9 =	vld [tilespmem:s13+$0x2280];
	v7 =	vsel vm11, $0x7, v7;
	vm11 =	vgt.f32 v62, v1;
	v2 =	vsel vm10, v62, v2  }
0x1b7: {  	v3 =	vsel vm12, $0x8, v3;
	v2 =	vsel vm11, v1, v2  }
0x1b8: {  	v3 =	vsel vm13, v7, v3;
	v1 =	vsel vm11, v62, v1;
	vm12 =	vgt.f32 v63, v2  }
0x1b9: {  	v10 =	vld [tilespmem:s13+$0x2300];
	v7 =	vsel vm13, $0x8, v7;
	vm13 =	vgt.f32 v63, v1;
	v2 =	vsel vm12, v63, v2  }
0x1ba: {  	v3 =	vsel vm14, $0x9, v3;
	v2 =	vsel vm13, v1, v2  }
0x1bb: {  	v3 =	vsel vm15, v7, v3;
	v1 =	vsel vm13, v63, v1;
	vm14 =	vgt.f32 v9, v2  }
0x1bc: {  	v11 =	vld [tilespmem:s13+$0x2380];
	v7 =	vsel vm15, $0x9, v7;
	vm15 =	vgt.f32 v9, v1;
	v2 =	vsel vm14, v9, v2  }
0x1bd: {  	v3 =	vsel vm8, $0xA, v3;
	v2 =	vsel vm15, v1, v2  }
0x1be: {  	v3 =	vsel vm9, v7, v3;
	v1 =	vsel vm15, v9, v1;
	vm8 =	vgt.f32 v10, v2  }
0x1bf: {  	v12 =	vld [tilespmem:s13+$0x4000];
	v7 =	vsel vm9, $0xA, v7;
	vm9 =	vgt.f32 v10, v1;
	v2 =	vsel vm8, v10, v2  }
0x1c0: {  	v3 =	vsel vm10, $0xB, v3;
	v2 =	vsel vm9, v1, v2  }
0x1c1: {  	v3 =	vsel vm11, v7, v3;
	v1 =	vsel vm9, v10, v1;
	vm10 =	vgt.f32 v11, v2  }
0x1c2: {  	v13 =	vld [tilespmem:s13+$0x4080];
	v7 =	vsel vm11, $0xB, v7;
	vm11 =	vgt.f32 v11, v1;
	v2 =	vsel vm10, v11, v2  }
0x1c3: {  	v3 =	vsel vm12, $0xC, v3;
	v2 =	vsel vm11, v1, v2  }
0x1c4: {  	v3 =	vsel vm13, v7, v3;
	v1 =	vsel vm11, v11, v1;
	vm12 =	vgt.f32 v12, v2  }
0x1c5: {  	v14 =	vld [tilespmem:s13+$0x4100];
	v7 =	vsel vm13, $0xC, v7;
	vm13 =	vgt.f32 v12, v1;
	v2 =	vsel vm12, v12, v2  }
0x1c6: {  	v3 =	vsel vm14, $0xD, v3;
	v2 =	vsel vm13, v1, v2  }
0x1c7: {  	v3 =	vsel vm15, v7, v3;
	v1 =	vsel vm13, v12, v1;
	vm14 =	vgt.f32 v13, v2  }
0x1c8: {  	v16 =	vld [tilespmem:s13+$0x4180];
	v7 =	vsel vm15, $0xD, v7;
	vm15 =	vgt.f32 v13, v1;
	v2 =	vsel vm14, v13, v2  }
0x1c9: {  	v3 =	vsel vm8, $0xE, v3;
	v2 =	vsel vm15, v1, v2  }
0x1ca: {  	v15 =	vsel vm9, $0xE, v7;
	v1 =	vsel vm15, v13, v1;
	vm8 =	vgt.f32 v14, v2  }
0x1cb: {  	v17 =	vld [tilespmem:s13+$0x4200];
	v3 =	vsel vm9, v7, v3;
	vm9 =	vgt.f32 v14, v1;
	v2 =	vsel vm8, v14, v2  }
0x1cc: {  	v3 =	vsel vm10, $0xF, v3;
	v5 =	vsel vm11, $0xF, v15;
	v2 =	vsel vm9, v1, v2  }
0x1cd: {  	v3 =	vsel vm11, v15, v3;
	v1 =	vsel vm9, v14, v1;
	vm10 =	vgt.f32 v16, v2  }
0x1ce: {  	v18 =	vld [tilespmem:s13+$0x4280];
	v3 =	vsel vm12, $0x10, v3;
	vm11 =	vgt.f32 v16, v1;
	v2 =	vsel vm10, v16, v2  }
0x1cf: {  	v3 =	vsel vm13, v5, v3;
	v2 =	vsel vm11, v1, v2  }
0x1d0: {  	v5 =	vsel vm13, $0x10, v5;
	v1 =	vsel vm11, v16, v1;
	vm12 =	vgt.f32 v17, v2  }
0x1d1: {  	v19 =	vld [tilespmem:s13+$0x4300];
	v3 =	vsel vm14, $0x11, v3;
	vm13 =	vgt.f32 v17, v1;
	v2 =	vsel vm12, v17, v2  }
0x1d2: {  	v3 =	vsel vm15, v5, v3;
	v2 =	vsel vm13, v1, v2  }
0x1d3: {  	v5 =	vsel vm15, $0x11, v5;
	v1 =	vsel vm13, v17, v1;
	vm14 =	vgt.f32 v18, v2  }
0x1d4: {  	v20 =	vld [tilespmem:s13+$0x4380];
	v3 =	vsel vm8, $0x12, v3;
	vm15 =	vgt.f32 v18, v1;
	v2 =	vsel vm14, v18, v2  }
0x1d5: {  	v3 =	vsel vm9, v5, v3;
	v2 =	vsel vm15, v1, v2  }
0x1d6: {  	v5 =	vsel vm9, $0x12, v5;
	v1 =	vsel vm15, v18, v1;
	vm8 =	vgt.f32 v19, v2  }
0x1d7: {  	v21 =	vld [tilespmem:s13+$0x6000];
	v3 =	vsel vm10, $0x13, v3;
	vm9 =	vgt.f32 v19, v1;
	v2 =	vsel vm8, v19, v2  }
0x1d8: {  	v3 =	vsel vm11, v5, v3;
	v2 =	vsel vm9, v1, v2  }
0x1d9: {  	v5 =	vsel vm11, $0x13, v5;
	v1 =	vsel vm9, v19, v1;
	vm10 =	vgt.f32 v20, v2  }
0x1da: {  	v22 =	vld [tilespmem:s13+$0x6080];
	v3 =	vsel vm12, $0x14, v3;
	vm11 =	vgt.f32 v20, v1;
	v2 =	vsel vm10, v20, v2  }
0x1db: {  	v3 =	vsel vm13, v5, v3;
	v2 =	vsel vm11, v1, v2  }
0x1dc: {  	v5 =	vsel vm13, $0x14, v5;
	v1 =	vsel vm11, v20, v1;
	vm12 =	vgt.f32 v21, v2  }
0x1dd: {  	v23 =	vld [tilespmem:s13+$0x6100];
	v3 =	vsel vm14, $0x15, v3;
	vm13 =	vgt.f32 v21, v1;
	v2 =	vsel vm12, v21, v2  }
0x1de: {  	v3 =	vsel vm15, v5, v3;
	v2 =	vsel vm13, v1, v2  }
0x1df: {  	v5 =	vsel vm15, $0x15, v5;
	v1 =	vsel vm13, v21, v1;
	vm14 =	vgt.f32 v22, v2  }
0x1e0: {  	v24 =	vld [tilespmem:s13+$0x6180];
	v3 =	vsel vm8, $0x16, v3;
	vm15 =	vgt.f32 v22, v1;
	v2 =	vsel vm14, v22, v2  }
0x1e1: {  	v3 =	vsel vm9, v5, v3;
	v2 =	vsel vm15, v1, v2  }
0x1e2: {  	v5 =	vsel vm9, $0x16, v5;
	v1 =	vsel vm15, v22, v1;
	vm8 =	vgt.f32 v23, v2  }
0x1e3: {  	v25 =	vld [tilespmem:s13+$0x6200];
	v3 =	vsel vm10, $0x17, v3;
	vm9 =	vgt.f32 v23, v1;
	v2 =	vsel vm8, v23, v2  }
0x1e4: {  	v3 =	vsel vm11, v5, v3;
	v2 =	vsel vm9, v1, v2  }
0x1e5: {  	v5 =	vsel vm11, $0x17, v5;
	v1 =	vsel vm9, v23, v1;
	vm10 =	vgt.f32 v24, v2  }
0x1e6: {  	v26 =	vld [tilespmem:s13+$0x6280];
	v3 =	vsel vm12, $0x18, v3;
	vm11 =	vgt.f32 v24, v1;
	v2 =	vsel vm10, v24, v2  }
0x1e7: {  	v3 =	vsel vm13, v5, v3;
	v2 =	vsel vm11, v1, v2  }
0x1e8: {  	v5 =	vsel vm13, $0x18, v5;
	v1 =	vsel vm11, v24, v1;
	vm12 =	vgt.f32 v25, v2  }
0x1e9: {  	v27 =	vld [tilespmem:s13+$0x6300];
	v3 =	vsel vm14, $0x19, v3;
	vm13 =	vgt.f32 v25, v1;
	v2 =	vsel vm12, v25, v2  }
0x1ea: {  	v3 =	vsel vm15, v5, v3;
	v2 =	vsel vm13, v1, v2  }
0x1eb: {  	v5 =	vsel vm15, $0x19, v5;
	v1 =	vsel vm13, v25, v1;
	vm14 =	vgt.f32 v26, v2  }
0x1ec: {  	v28 =	vld [tilespmem:s13+$0x6380];
	v3 =	vsel vm8, $0x1A, v3;
	vm15 =	vgt.f32 v26, v1;
	v2 =	vsel vm14, v26, v2  }
0x1ed: {  	v3 =	vsel vm9, v5, v3;
	v2 =	vsel vm15, v1, v2  }
0x1ee: {  	v5 =	vsel vm9, $0x1A, v5;
	v1 =	vsel vm15, v26, v1;
	vm8 =	vgt.f32 v27, v2  }
0x1ef: {  	v29 =	vld [tilespmem:s13+$0x8000];
	v3 =	vsel vm10, $0x1B, v3;
	vm9 =	vgt.f32 v27, v1;
	v2 =	vsel vm8, v27, v2  }
0x1f0: {  	v3 =	vsel vm11, v5, v3;
	v2 =	vsel vm9, v1, v2  }
0x1f1: {  	v5 =	vsel vm11, $0x1B, v5;
	v1 =	vsel vm9, v27, v1;
	vm10 =	vgt.f32 v28, v2  }
0x1f2: {  	v30 =	vld [tilespmem:s13+$0x8080];
	v3 =	vsel vm12, $0x1C, v3;
	vm11 =	vgt.f32 v28, v1;
	v2 =	vsel vm10, v28, v2  }
0x1f3: {  	v3 =	vsel vm13, v5, v3;
	v2 =	vsel vm11, v1, v2  }
0x1f4: {  	v5 =	vsel vm13, $0x1C, v5;
	v1 =	vsel vm11, v28, v1;
	vm12 =	vgt.f32 v29, v2  }
0x1f5: {  	v31 =	vld [tilespmem:s13+$0x8100];
	v3 =	vsel vm14, $0x1D, v3;
	vm13 =	vgt.f32 v29, v1;
	v2 =	vsel vm12, v29, v2  }
0x1f6: {  	v3 =	vsel vm15, v5, v3;
	v2 =	vsel vm13, v1, v2  }
0x1f7: {  	v5 =	vsel vm15, $0x1D, v5;
	v1 =	vsel vm13, v29, v1;
	vm14 =	vgt.f32 v30, v2  }
0x1f8: {  	v32 =	vld [tilespmem:s13+$0x8180];
	v3 =	vsel vm8, $0x1E, v3;
	vm15 =	vgt.f32 v30, v1;
	v2 =	vsel vm14, v30, v2  }
0x1f9: {  	v3 =	vsel vm9, v5, v3;
	v2 =	vsel vm15, v1, v2  }
0x1fa: {  	v5 =	vsel vm9, $0x1E, v5;
	v1 =	vsel vm15, v30, v1;
	vm8 =	vgt.f32 v31, v2  }
0x1fb: {  	v33 =	vld [tilespmem:s13+$0x8200];
	v3 =	vsel vm10, $0x1F, v3;
	vm9 =	vgt.f32 v31, v1;
	v2 =	vsel vm8, v31, v2  }
0x1fc: {  	v3 =	vsel vm11, v5, v3;
	v2 =	vsel vm9, v1, v2  }
0x1fd: {  	v5 =	vsel vm11, $0x1F, v5;
	v1 =	vsel vm9, v31, v1;
	vm10 =	vgt.f32 v32, v2  }
0x1fe: {  	v34 =	vld [tilespmem:s13+$0x8280];
	v3 =	vsel vm12, $0x20, v3;
	vm11 =	vgt.f32 v32, v1;
	v2 =	vsel vm10, v32, v2  }
0x1ff: {  	v3 =	vsel vm13, v5, v3;
	v2 =	vsel vm11, v1, v2  }
0x200: {  	v5 =	vsel vm13, $0x20, v5;
	v1 =	vsel vm11, v32, v1;
	vm12 =	vgt.f32 v33, v2  }
0x201: {  	v35 =	vld [tilespmem:s13+$0x8300];
	v3 =	vsel vm14, $0x21, v3;
	vm13 =	vgt.f32 v33, v1;
	v2 =	vsel vm12, v33, v2  }
0x202: {  	v3 =	vsel vm15, v5, v3;
	v2 =	vsel vm13, v1, v2  }
0x203: {  	v5 =	vsel vm15, $0x21, v5;
	v1 =	vsel vm13, v33, v1;
	vm14 =	vgt.f32 v34, v2  }
0x204: {  	v36 =	vld [tilespmem:s13+$0x8380];
	v3 =	vsel vm8, $0x22, v3;
	vm15 =	vgt.f32 v34, v1;
	v2 =	vsel vm14, v34, v2  }
0x205: {  	v3 =	vsel vm9, v5, v3;
	v2 =	vsel vm15, v1, v2  }
0x206: {  	v5 =	vsel vm9, $0x22, v5;
	v1 =	vsel vm15, v34, v1;
	vm8 =	vgt.f32 v35, v2  }
0x207: {  	v37 =	vld [tilespmem:s13+$0xA000];
	v3 =	vsel vm10, $0x23, v3;
	vm9 =	vgt.f32 v35, v1;
	v2 =	vsel vm8, v35, v2  }
0x208: {  	v3 =	vsel vm11, v5, v3;
	v2 =	vsel vm9, v1, v2  }
0x209: {  	v5 =	vsel vm11, $0x23, v5;
	v1 =	vsel vm9, v35, v1;
	vm10 =	vgt.f32 v36, v2  }
0x20a: {  	v38 =	vld [tilespmem:s13+$0xA080];
	v3 =	vsel vm12, $0x24, v3;
	vm11 =	vgt.f32 v36, v1;
	v2 =	vsel vm10, v36, v2  }
0x20b: {  	v3 =	vsel vm13, v5, v3;
	v2 =	vsel vm11, v1, v2  }
0x20c: {  	v5 =	vsel vm13, $0x24, v5;
	v1 =	vsel vm11, v36, v1;
	vm12 =	vgt.f32 v37, v2  }
0x20d: {  	v39 =	vld [tilespmem:s13+$0xA100];
	v3 =	vsel vm14, $0x25, v3;
	vm13 =	vgt.f32 v37, v1;
	v2 =	vsel vm12, v37, v2  }
0x20e: {  	v3 =	vsel vm15, v5, v3;
	v2 =	vsel vm13, v1, v2  }
0x20f: {  	v5 =	vsel vm15, $0x25, v5;
	v1 =	vsel vm13, v37, v1;
	vm14 =	vgt.f32 v38, v2  }
0x210: {  	v40 =	vld [tilespmem:s13+$0xA180];
	v3 =	vsel vm8, $0x26, v3;
	vm15 =	vgt.f32 v38, v1;
	v2 =	vsel vm14, v38, v2  }
0x211: {  	v3 =	vsel vm9, v5, v3;
	v2 =	vsel vm15, v1, v2  }
0x212: {  	v5 =	vsel vm9, $0x26, v5;
	v1 =	vsel vm15, v38, v1;
	vm8 =	vgt.f32 v39, v2  }
0x213: {  	v41 =	vld [tilespmem:s13+$0xA200];
	v3 =	vsel vm10, $0x27, v3;
	vm9 =	vgt.f32 v39, v1;
	v2 =	vsel vm8, v39, v2  }
0x214: {  	v3 =	vsel vm11, v5, v3;
	v2 =	vsel vm9, v1, v2  }
0x215: {  	v5 =	vsel vm11, $0x27, v5;
	v1 =	vsel vm9, v39, v1;
	vm10 =	vgt.f32 v40, v2  }
0x216: {  	v42 =	vld [tilespmem:s13+$0xA280];
	v3 =	vsel vm12, $0x28, v3;
	vm11 =	vgt.f32 v40, v1;
	v2 =	vsel vm10, v40, v2  }
0x217: {  	v3 =	vsel vm13, v5, v3;
	v5 =	vsel vm13, $0x28, v5;
	v2 =	vsel vm11, v1, v2  }
0x218: {  	v3 =	vsel vm14, $0x29, v3;
	v1 =	vsel vm11, v40, v1;
	vm12 =	vgt.f32 v41, v2  }
0x219: {  	v44 =	vld [tilespmem:s13+$0xA300];
	v3 =	vsel vm15, v5, v3;
	vm13 =	vgt.f32 v41, v1;
	v2 =	vsel vm12, v41, v2  }
0x21a: {  	v8 =	vsel vm15, $0x29, v5;
	v3 =	vsel vm8, $0x2A, v3;
	v2 =	vsel vm13, v1, v2  }
0x21b: {  	v43 =	vsel vm9, $0x2A, v8;
	v1 =	vsel vm13, v41, v1;
	vm14 =	vgt.f32 v42, v2  }
0x21c: {  	v45 =	vld [tilespmem:s13+$0xA380];
	v3 =	vsel vm9, v8, v3;
	vm15 =	vgt.f32 v42, v1;
	v2 =	vsel vm14, v42, v2  }
0x21d: {  	v3 =	vsel vm10, $0x2B, v3;
	v6 =	vsel vm11, $0x2B, v43;
	v2 =	vsel vm15, v1, v2  }
0x21e: {  	v3 =	vsel vm11, v43, v3;
	v1 =	vsel vm15, v42, v1;
	vm4 =	vgt.f32 v44, v2  }
0x21f: {  	v46 =	vld [tilespmem:s13+$0xC000];
	v3 =	vsel vm12, $0x2C, v3;
	vm5 =	vgt.f32 v44, v1;
	v2 =	vsel vm4, v44, v2  }
0x220: {  	v3 =	vsel vm13, v6, v3;
	v2 =	vsel vm5, v1, v2  }
0x221: {  	v6 =	vsel vm13, $0x2C, v6;
	v1 =	vsel vm5, v44, v1;
	vm6 =	vgt.f32 v45, v2  }
0x222: {  	v47 =	vld [tilespmem:s13+$0xC080];
	v3 =	vsel vm14, $0x2D, v3;
	vm7 =	vgt.f32 v45, v1;
	v2 =	vsel vm6, v45, v2  }
0x223: {  	v3 =	vsel vm15, v6, v3;
	v2 =	vsel vm7, v1, v2  }
0x224: {  	v6 =	vsel vm15, $0x2D, v6;
	v1 =	vsel vm7, v45, v1;
	vm8 =	vgt.f32 v46, v2  }
0x225: {  	v48 =	vld [tilespmem:s13+$0xC100];
	v3 =	vsel vm4, $0x2E, v3;
	vm9 =	vgt.f32 v46, v1;
	v2 =	vsel vm8, v46, v2  }
0x226: {  	v3 =	vsel vm5, v6, v3;
	v2 =	vsel vm9, v1, v2  }
0x227: {  	v6 =	vsel vm5, $0x2E, v6;
	v1 =	vsel vm9, v46, v1;
	vm10 =	vgt.f32 v47, v2  }
0x228: {  	v49 =	vld [tilespmem:s13+$0xC180];
	v3 =	vsel vm6, $0x2F, v3;
	vm11 =	vgt.f32 v47, v1;
	v2 =	vsel vm10, v47, v2  }
0x229: {  	v3 =	vsel vm7, v6, v3;
	v6 =	vsel vm7, $0x2F, v6;
	v2 =	vsel vm11, v1, v2  }
0x22a: {  	v3 =	vsel vm8, $0x30, v3;
	v1 =	vsel vm11, v47, v1;
	vm12 =	vgt.f32 v48, v2  }
0x22b: {  	v50 =	vld [tilespmem:s13+$0xC200];
	v3 =	vsel vm9, v6, v3;
	vm13 =	vgt.f32 v48, v1;
	v2 =	vsel vm12, v48, v2  }
0x22c: {  	v6 =	vsel vm9, $0x30, v6;
	v3 =	vsel vm10, $0x31, v3;
	v2 =	vsel vm13, v1, v2  }
0x22d: {  	v51 =	vsel vm11, $0x31, v6;
	v1 =	vsel vm13, v48, v1;
	vm14 =	vgt.f32 v49, v2  }
0x22e: {  	v52 =	vld [tilespmem:s13+$0xC280];
	v3 =	vsel vm11, v6, v3;
	vm15 =	vgt.f32 v49, v1;
	v2 =	vsel vm14, v49, v2  }
0x22f: {  	v3 =	vsel vm12, $0x32, v3;
	v4 =	vsel vm13, $0x32, v51;
	v2 =	vsel vm15, v1, v2  }
0x230: {  	v3 =	vsel vm13, v51, v3;
	v1 =	vsel vm15, v49, v1;
	vm4 =	vgt.f32 v50, v2  }
0x231: {  	v53 =	vld [tilespmem:s13+$0xC300];
	v3 =	vsel vm14, $0x33, v3;
	vm5 =	vgt.f32 v50, v1;
	v2 =	vsel vm4, v50, v2  }
0x232: {  	v3 =	vsel vm15, v4, v3;
	v2 =	vsel vm5, v1, v2  }
0x233: {  	v4 =	vsel vm15, $0x33, v4;
	v1 =	vsel vm5, v50, v1;
	vm6 =	vgt.f32 v52, v2  }
0x234: {  	v54 =	vld [tilespmem:s13+$0xC380];
	v3 =	vsel vm4, $0x34, v3;
	vm7 =	vgt.f32 v52, v1;
	v2 =	vsel vm6, v52, v2  }
0x235: {  	v3 =	vsel vm5, v4, v3;
	v2 =	vsel vm7, v1, v2  }
0x236: {  	v4 =	vsel vm5, $0x34, v4;
	v1 =	vsel vm7, v52, v1;
	vm8 =	vgt.f32 v53, v2  }
0x237: {  	v55 =	vld [tilespmem:s13+$0xE000];
	v3 =	vsel vm6, $0x35, v3;
	vm9 =	vgt.f32 v53, v1;
	v2 =	vsel vm8, v53, v2  }
0x238: {  	v3 =	vsel vm7, v4, v3;
	v2 =	vsel vm9, v1, v2  }
0x239: {  	v4 =	vsel vm7, $0x35, v4;
	v1 =	vsel vm9, v53, v1;
	vm10 =	vgt.f32 v54, v2  }
0x23a: {  	v56 =	vld [tilespmem:s13+$0xE080];
	v3 =	vsel vm8, $0x36, v3;
	vm11 =	vgt.f32 v54, v1;
	v2 =	vsel vm10, v54, v2  }
0x23b: {  	v3 =	vsel vm9, v4, v3;
	v2 =	vsel vm11, v1, v2  }
0x23c: {  	v4 =	vsel vm9, $0x36, v4;
	v1 =	vsel vm11, v54, v1;
	vm12 =	vgt.f32 v55, v2  }
0x23d: {  	v57 =	vld [tilespmem:s13+$0xE100];
	v3 =	vsel vm10, $0x37, v3;
	vm13 =	vgt.f32 v55, v1;
	v2 =	vsel vm12, v55, v2  }
0x23e: {  	v3 =	vsel vm11, v4, v3;
	v2 =	vsel vm13, v1, v2  }
0x23f: {  	v4 =	vsel vm11, $0x37, v4;
	v1 =	vsel vm13, v55, v1;
	vm14 =	vgt.f32 v56, v2  }
0x240: {  	v58 =	vld [tilespmem:s13+$0xE180];
	v3 =	vsel vm12, $0x38, v3;
	vm15 =	vgt.f32 v56, v1;
	v2 =	vsel vm14, v56, v2  }
0x241: {  	v3 =	vsel vm13, v4, v3;
	v2 =	vsel vm15, v1, v2  }
0x242: {  	v4 =	vsel vm13, $0x38, v4;
	v1 =	vsel vm15, v56, v1;
	vm4 =	vgt.f32 v57, v2  }
0x243: {  	v59 =	vld [tilespmem:s13+$0xE200];
	v3 =	vsel vm14, $0x39, v3;
	vm5 =	vgt.f32 v57, v1;
	v2 =	vsel vm4, v57, v2  }
0x244: {  	v3 =	vsel vm15, v4, v3;
	v2 =	vsel vm5, v1, v2  }
0x245: {  	v4 =	vsel vm15, $0x39, v4;
	v1 =	vsel vm5, v57, v1;
	vm6 =	vgt.f32 v58, v2  }
0x246: {  	v60 =	vld [tilespmem:s13+$0xE280];
	v3 =	vsel vm4, $0x3A, v3;
	vm7 =	vgt.f32 v58, v1;
	v2 =	vsel vm6, v58, v2  }
0x247: {  	v3 =	vsel vm5, v4, v3;
	v4 =	vsel vm5, $0x3A, v4;
	v2 =	vsel vm7, v1, v2  }
0x248: {  	v3 =	vsel vm6, $0x3B, v3;
	v1 =	vsel vm7, v58, v1;
	vm8 =	vgt.f32 v59, v2  }
0x249: {  	v61 =	vld [tilespmem:s13+$0xE300];
	v3 =	vsel vm7, v4, v3;
	vm9 =	vgt.f32 v59, v1;
	v2 =	vsel vm8, v59, v2  }
0x24a: {  	v4 =	vsel vm7, $0x3B, v4;
	v3 =	vsel vm8, $0x3C, v3;
	v2 =	vsel vm9, v1, v2  }
0x24b: {  	v3 =	vsel vm9, v4, v3;
	v1 =	vsel vm9, v59, v1;
	vm10 =	vgt.f32 v60, v2  }
0x24c: {  	v62 =	vld [tilespmem:s13+$0xE380];
	v4 =	vsel vm9, $0x3C, v4;
	vm11 =	vgt.f32 v60, v1;
	v2 =	vsel vm10, v60, v2  }
0x24d: {  	v3 =	vsel vm10, $0x3D, v3;
	v2 =	vsel vm11, v1, v2;
	v1 =	vsel vm11, v60, v1  }
0x24e: {  	v3 =	vsel vm11, v4, v3;
	v4 =	vsel vm11, $0x3D, v4;
	vm12 =	vgt.f32 v61, v2  }
0x24f: {  	vm13 =	vgt.f32 v61, v1;
	v2 =	vsel vm12, v61, v2;
	v3 =	vsel vm12, $0x3E, v3  }
0x250: {  	v63 =	vsel vm13, $0x3E, v4;
	v2 =	vsel vm13, v1, v2;
	v1 =	vsel vm13, v61, v1  }
0x251: {  	v3 =	vsel vm13, v4, v3;
	vm14 =	vgt.f32 v62, v1;
	vm15 =	vgt.f32 v62, v2  }
0x252: {  	s12 =	sadd.s32 $0x10, s12;
	v1 =	vsel vm15, $0x3F, v3;
	v2 =	vsel vm14, $0x3F, v63  }
0x253: {  	v1 =	vsel vm14, v63, v1;
	[tilespmem:s12+$0x0] =	vst v2  }
0x254: {  	[tilespmem:s11+$0x0] =	vst v1  }
0x255: {  	[hbm4b:s4+s2] =	stream.linear.scatter [tilespmem:s8], [sflag:$0x1], $0x400, $0x38;
	[tilespmem:$0x10800] =	vst v63  }
0x256: {  	s10 =	sadd.s32 $0x1, s10;
	_ =	swait.ge [sflag:s7], $0x400  }
0x257: {  	p0 =	sne.s32 s10, s6;
	[sflag:s7] =	ssyncset.done $0x0  }
.Ltmp1:
0x258: {  	[sflag:s7] =	ssyncadd.s32 $0xFFFFFC00;
	(pc) =	sbr.rel @p0 .LBB2_1-.Ltmp1, $4  }
0x259: {  	[hbm4b:s5+s2] =	stream.linear.scatter [tilespmem:s9], [sflag:$0x1], $0x400, $0x38;
	[tilespmem:$0x10800] =	vst v63  }
0x25a: {  	_ =	swait.ge [sflag:s7], $0x400  }
0x25b: {  	[sflag:s7] =	ssyncset.done $0x0  }
0x25c: {  	[sflag:s7] =	ssyncadd.s32 $0xFFFFFC00  }
0x25d: {  	_ =	sfence.sel $0x180000  }
0x25e: {  	[bflag:$0x0] =	sbarrier.arrive $0xFFFF  }
0x25f: {  	p0 =	sne.s32 s1, $0x0;
	_ =	strace $0x90000047  }
0x260: {  	s0 =	sadd.s32 @!p0 $0x100000, s0;
	[bflag:$0x2] =	sbarrier.arrive $0xFFFF  }
0x261: {  	[sflag:s0] =	ssyncadd.tile.s32 @!p0 $0x1;
	_ =	shalt  }
.Lfunc_end2:
_tile_overlayer_lowered:
.L_overlay_start_2:
0x262: {  	(tag) =	ssettag $0x2  }
0x263: {  	s0 =	rddreg [dreg:$0x0];
	s2 =	stileid.u32  }
0x264: {  	s1 =	rddreg [dreg:$0x1];
	p0 =	sne.s32 s2, $0x0  }
0x265: {  	s3 =	rddreg [dreg:$0x2];
	[bflag:$0x3] =	sbarrier.arrive $0xFFFF;
	s2 =	simm.s32 @!p0 $0x1C01  }
0x266: {  	[timem:s3], [sflag:s2] =	dma.local @!p0 [hbm:s0], s1  }
0x267: {  	s0 =	simm.s32 @!p0 $0x1  }
0x268: {  	_ =	swait.ge @!p0 [sflag:s0], s1  }
0x269: {  	s1 =	ssub.s32 @!p0 $0x0, s1;
	[sflag:s0] =	ssyncset.done @!p0 $0x0  }
0x26a: {  	[sflag:s0] =	ssyncadd.s32 @!p0 s1  }
0x26b: {  	[bflag:$0x3] =	sbarrier.arrive $0xFFFF  }
0x26c: {  	_ =	shalt  }

</sc_bundles>
